<compile_context>
chip_gen: v7x
topology: tpu7x:2x2x1
jax: 0.10.2.dev20260603
libtpu: 0.0.44.dev20260713+nightly
codegen_flags: <defaults>
</compile_context>

<pallas_src>
import functools

import jax
import jax.numpy as jnp
from jax import lax
from jax.experimental import pallas as pl
from jax.experimental.pallas import tpu as pltpu
from jax.experimental.pallas import tpu_sc as plsc

BATCH = 16384
K = 128
LANES = 16
NC = 2
NS = 16
NW = NC * NS
ROWS_PER_W = BATCH // NW
CHUNK = 128
NCHUNK = ROWS_PER_W // CHUNK
NSLOT = 3

_mesh = plsc.VectorSubcoreMesh(core_axis_name="c", subcore_axis_name="s")

_scratch = (
    [pltpu.VMEM((ROWS_PER_W,), jnp.int32)] * 2
    + [pltpu.VMEM((CHUNK, K), jnp.float32)] * (2 * NSLOT)
    + [pltpu.VMEM((ROWS_PER_W,), jnp.float32)]
    + [pltpu.SemaphoreType.DMA] * (2 * NSLOT)
)


@functools.partial(
    pl.kernel,
    out_type=[
        jax.ShapeDtypeStruct((BATCH,), jnp.float32),
        jax.ShapeDtypeStruct((BATCH, K), jnp.float32),
        jax.ShapeDtypeStruct((BATCH, K), jnp.float32),
    ],
    mesh=_mesh,
    scratch_types=_scratch,
    compiler_params=pltpu.CompilerParams(needs_layout_passes=False),
)
def _sc_body(users_hbm, items_hbm, gu_hbm, gi_hbm,
             xui_hbm, gu_out_hbm, gi_out_hbm, *scr):
    idxu_v, idxi_v = scr[0], scr[1]
    ubufs = scr[2:2 + NSLOT]
    ibufs = scr[2 + NSLOT:2 + 2 * NSLOT]
    xui_v = scr[2 + 2 * NSLOT]
    sg = scr[3 + 2 * NSLOT:3 + 3 * NSLOT]
    sw = scr[3 + 3 * NSLOT:3 + 4 * NSLOT]

    wid = lax.axis_index("s") * NC + lax.axis_index("c")
    base = wid * ROWS_PER_W

    pltpu.sync_copy(users_hbm.at[pl.ds(base, ROWS_PER_W)], idxu_v)
    pltpu.sync_copy(items_hbm.at[pl.ds(base, ROWS_PER_W)], idxi_v)

    lane = lax.iota(jnp.int32, LANES)

    def fire_gather(n, s):
        co = n * CHUNK
        cu = pltpu.async_copy(gu_hbm.at[idxu_v.at[pl.ds(co, CHUNK)]], ubufs[s], sg[s])
        ci = pltpu.async_copy(gi_hbm.at[idxi_v.at[pl.ds(co, CHUNK)]], ibufs[s], sg[s])
        return cu, ci

    def fire_writeback(n, s):
        co = n * CHUNK
        wu = pltpu.async_copy(ubufs[s], gu_out_hbm.at[pl.ds(base + co, CHUNK)], sw[s])
        wi = pltpu.async_copy(ibufs[s], gi_out_hbm.at[pl.ds(base + co, CHUNK)], sw[s])
        return wu, wi

    def dot_chunk(n, s):
        co = n * CHUNK
        u_buf, i_buf = ubufs[s], ibufs[s]

        def group_body(g, _):
            base_r = g * LANES

            def row_body(j, out16):
                ur = u_buf.at[base_r + j]
                ir = i_buf.at[base_r + j]
                acc = ur[pl.ds(0, LANES)] * ir[pl.ds(0, LANES)]
                for k in range(1, K // LANES):
                    acc = acc + ur[pl.ds(k * LANES, LANES)] * ir[pl.ds(k * LANES, LANES)]
                return out16 + jnp.where(lane == j, jnp.sum(acc), 0.0)

            out16 = lax.fori_loop(0, LANES, row_body,
                                  jnp.zeros((LANES,), jnp.float32), unroll=2)
            xui_v[pl.ds(co + base_r, LANES)] = out16
            return 0

        lax.fori_loop(0, CHUNK // LANES, group_body, 0)

    gath = {}
    wbs = {}
    for n in range(NSLOT):
        gath[n] = fire_gather(n, n)

    for n in range(NCHUNK):
        s = n % NSLOT
        for c in gath[n]:
            c.wait()
        wbs[n] = fire_writeback(n, s)
        dot_chunk(n, s)
        if n + NSLOT < NCHUNK:
            for c in wbs[n]:
                c.wait()
            gath[n + NSLOT] = fire_gather(n + NSLOT, s)

    pltpu.sync_copy(xui_v, xui_hbm.at[pl.ds(base, ROWS_PER_W)])

    for n in range(max(0, NCHUNK - NSLOT), NCHUNK):
        for c in wbs[n]:
            c.wait()


def kernel(users, items, Gu, Gi):
    xui, gu, gi = _sc_body(users.astype(jnp.int32), items.astype(jnp.int32), Gu, Gi)
    return xui, gu, gi

# --- scband reference (transcript-rebuilt; emitter-appended) ---
"""Pipeline reference for scband-rslogic2-model-26714696581661 (READ-ONLY COPY).

The authoritative reference and input builder live on the scoring server;
editing this copy changes nothing except your own understanding.
"""

import jax, jax.numpy as jnp
import numpy as np

NUM_USERS = 1000000
NUM_ITEMS = 1000000
EMBED_K = 128
BATCH = 16384

def setup_inputs(seed: int = 0) -> dict:
    key = jax.random.key(seed)
    k1, k2, k3, k4 = jax.random.split(key, 4)
    # xavier_uniform init for embedding tables: bound = sqrt(6/(fan_in+fan_out))
    bound_u = float(np.sqrt(6.0 / (NUM_USERS + EMBED_K)))
    bound_i = float(np.sqrt(6.0 / (NUM_ITEMS + EMBED_K)))
    Gu = jax.random.uniform(k1, (NUM_USERS, EMBED_K), dtype=jnp.float32, minval=-bound_u, maxval=bound_u)
    Gi = jax.random.uniform(k2, (NUM_ITEMS, EMBED_K), dtype=jnp.float32, minval=-bound_i, maxval=bound_i)
    users = jax.random.randint(k3, (BATCH,), 0, NUM_USERS, dtype=jnp.int64 if jax.config.jax_enable_x64 else jnp.int32)
    items = jax.random.randint(k4, (BATCH,), 0, NUM_ITEMS, dtype=jnp.int64 if jax.config.jax_enable_x64 else jnp.int32)
    return {"users": users, "items": items, "Gu": Gu, "Gi": Gi}

def reference(users, items, Gu, Gi):
    # gamma_u = self.Gu.weight[users]; gamma_i = self.Gi.weight[items]
    gamma_u = jnp.take(Gu, users, axis=0)
    gamma_i = jnp.take(Gi, items, axis=0)
    # xui = torch.sum(gamma_u * gamma_i, dim=1)
    xui = jnp.sum(gamma_u * gamma_i, axis=1)
    return (xui, gamma_u, gamma_i)

if __name__ == "__main__":
    import jax
    _d = setup_inputs()
    print(jax.jit(kernel)(*tuple(_d.values())))

</pallas_src>

<mosaic_0001>
#map = affine_map<(d0, d1) -> (0)>
#map1 = affine_map<(d0, d1) -> (0, 0)>
module attributes {stable_mosaic.version = 14 : i64} {
  func.func @_sc_body(%arg0: i32, %arg1: i32, %arg2: memref<16384xi32, #tpu.memory_space<hbm>>, %arg3: memref<16384xi32, #tpu.memory_space<hbm>>, %arg4: memref<1000000x128xf32, #tpu.memory_space<hbm>>, %arg5: memref<1000000x128xf32, #tpu.memory_space<hbm>>, %arg6: memref<16384xf32, #tpu.memory_space<hbm>>, %arg7: memref<16384x128xf32, #tpu.memory_space<hbm>>, %arg8: memref<16384x128xf32, #tpu.memory_space<hbm>>, %arg9: memref<512xi32, #tpu.memory_space<vmem>>, %arg10: memref<512xi32, #tpu.memory_space<vmem>>, %arg11: memref<128x128xf32, #tpu.memory_space<vmem>>, %arg12: memref<128x128xf32, #tpu.memory_space<vmem>>, %arg13: memref<128x128xf32, #tpu.memory_space<vmem>>, %arg14: memref<128x128xf32, #tpu.memory_space<vmem>>, %arg15: memref<128x128xf32, #tpu.memory_space<vmem>>, %arg16: memref<128x128xf32, #tpu.memory_space<vmem>>, %arg17: memref<512xf32, #tpu.memory_space<vmem>>, %arg18: memref<!tpu.dma_semaphore, #tpu.memory_space<semaphore_mem>>, %arg19: memref<!tpu.dma_semaphore, #tpu.memory_space<semaphore_mem>>, %arg20: memref<!tpu.dma_semaphore, #tpu.memory_space<semaphore_mem>>, %arg21: memref<!tpu.dma_semaphore, #tpu.memory_space<semaphore_mem>>, %arg22: memref<!tpu.dma_semaphore, #tpu.memory_space<semaphore_mem>>, %arg23: memref<!tpu.dma_semaphore, #tpu.memory_space<semaphore_mem>>) attributes {dimension_semantics = [#tpu.dimension_semantics<core_parallel>, #tpu.dimension_semantics<subcore_parallel>], iteration_bounds = array<i64: 2, 16>, scalar_prefetch = 0 : i64, scratch_operands = 15 : i64, tpu.core_type = #tpu.core_type<sc_vector_subcore>, window_params = [{transform_indices = #map}, {transform_indices = #map}, {transform_indices = #map1}, {transform_indices = #map1}, {transform_indices = #map}, {transform_indices = #map1}, {transform_indices = #map1}]} {
    %mul3A = arith.constant 2 : i32
    %mul3A_0 = arith.muli %arg1, %mul3A : i32
    %add3A = arith.addi %mul3A_0, %arg0 : i32
    %mul3A_1 = arith.constant 512 : i32
    %mul3A_2 = arith.muli %add3A, %mul3A_1 : i32
    "tpu.region"() ({
      %run_scoped3A = tpu.sem_alloc : memref<!tpu.dma_semaphore, #tpu.memory_space<semaphore_mem>>
      %dma_start3A_188 = tpu.memref_slice %arg2[%mul3A_2] : memref<16384xi32, #tpu.memory_space<hbm>> -> memref<512xi32, #tpu.memory_space<hbm>>
      %dma_start3A_189 = tpu.memref_slice %arg2[%mul3A_2] : memref<16384xi32, #tpu.memory_space<hbm>> -> memref<512xi32, #tpu.memory_space<hbm>>
      tpu.enqueue_dma source(%dma_start3A_189 : memref<512xi32, #tpu.memory_space<hbm>>) target(%arg9 : memref<512xi32, #tpu.memory_space<vmem>>) target_semaphore(%run_scoped3A : memref<!tpu.dma_semaphore, #tpu.memory_space<semaphore_mem>>)
      %dma_wait3A_190 = tpu.memref_slice %arg2[%mul3A_2] : memref<16384xi32, #tpu.memory_space<hbm>> -> memref<512xi32, #tpu.memory_space<hbm>>
      %dma_wait3A_191 = tpu.memref_slice %arg2[%mul3A_2] : memref<16384xi32, #tpu.memory_space<hbm>> -> memref<512xi32, #tpu.memory_space<hbm>>
      tpu.wait_dma2 semaphore(%run_scoped3A : memref<!tpu.dma_semaphore, #tpu.memory_space<semaphore_mem>>) src(%dma_wait3A_191 : memref<512xi32, #tpu.memory_space<hbm>>) dst(%arg9 : memref<512xi32, #tpu.memory_space<vmem>>)
      tpu.yield
    }) : () -> ()
    "tpu.region"() ({
      %run_scoped3A = tpu.sem_alloc : memref<!tpu.dma_semaphore, #tpu.memory_space<semaphore_mem>>
      %dma_start3A_188 = tpu.memref_slice %arg3[%mul3A_2] : memref<16384xi32, #tpu.memory_space<hbm>> -> memref<512xi32, #tpu.memory_space<hbm>>
      %dma_start3A_189 = tpu.memref_slice %arg3[%mul3A_2] : memref<16384xi32, #tpu.memory_space<hbm>> -> memref<512xi32, #tpu.memory_space<hbm>>
      tpu.enqueue_dma source(%dma_start3A_189 : memref<512xi32, #tpu.memory_space<hbm>>) target(%arg10 : memref<512xi32, #tpu.memory_space<vmem>>) target_semaphore(%run_scoped3A : memref<!tpu.dma_semaphore, #tpu.memory_space<semaphore_mem>>)
      %dma_wait3A_190 = tpu.memref_slice %arg3[%mul3A_2] : memref<16384xi32, #tpu.memory_space<hbm>> -> memref<512xi32, #tpu.memory_space<hbm>>
      %dma_wait3A_191 = tpu.memref_slice %arg3[%mul3A_2] : memref<16384xi32, #tpu.memory_space<hbm>> -> memref<512xi32, #tpu.memory_space<hbm>>
      tpu.wait_dma2 semaphore(%run_scoped3A : memref<!tpu.dma_semaphore, #tpu.memory_space<semaphore_mem>>) src(%dma_wait3A_191 : memref<512xi32, #tpu.memory_space<hbm>>) dst(%arg10 : memref<512xi32, #tpu.memory_space<vmem>>)
      tpu.yield
    }) : () -> ()
    %iota3A = tpu.iota {dimensions = array<i32: 0>} : vector<16xi32>
    %dma_start3A = arith.constant 0 : i32
    %dma_start3A_3 = tpu.memref_slice %arg9[%dma_start3A] : memref<512xi32, #tpu.memory_space<vmem>> -> memref<128xi32, #tpu.memory_space<vmem>>
    %dma_start3A_4 = arith.constant 0 : i32
    %dma_start3A_5 = arith.constant 0 : i32
    %dma_start3A_6 = tpu.memref_slice %arg4[%dma_start3A_4, %dma_start3A_5] : memref<1000000x128xf32, #tpu.memory_space<hbm>> -> memref<1000000x128xf32, #tpu.memory_space<hbm>>
    tpu.enqueue_indirect_dma source(%dma_start3A_6 : memref<1000000x128xf32, #tpu.memory_space<hbm>>) target(%arg11 : memref<128x128xf32, #tpu.memory_space<vmem>>) offsets(%dma_start3A_3 : memref<128xi32, #tpu.memory_space<vmem>>) semaphore(%arg18 : memref<!tpu.dma_semaphore, #tpu.memory_space<semaphore_mem>>)
    %dma_start3A_7 = arith.constant 0 : i32
    %dma_start3A_8 = tpu.memref_slice %arg10[%dma_start3A_7] : memref<512xi32, #tpu.memory_space<vmem>> -> memref<128xi32, #tpu.memory_space<vmem>>
    %dma_start3A_9 = arith.constant 0 : i32
    %dma_start3A_10 = arith.constant 0 : i32
    %dma_start3A_11 = tpu.memref_slice %arg5[%dma_start3A_9, %dma_start3A_10] : memref<1000000x128xf32, #tpu.memory_space<hbm>> -> memref<1000000x128xf32, #tpu.memory_space<hbm>>
    tpu.enqueue_indirect_dma source(%dma_start3A_11 : memref<1000000x128xf32, #tpu.memory_space<hbm>>) target(%arg14 : memref<128x128xf32, #tpu.memory_space<vmem>>) offsets(%dma_start3A_8 : memref<128xi32, #tpu.memory_space<vmem>>) semaphore(%arg18 : memref<!tpu.dma_semaphore, #tpu.memory_space<semaphore_mem>>)
    %dma_start3A_12 = arith.constant 128 : i32
    %dma_start3A_13 = tpu.memref_slice %arg9[%dma_start3A_12] : memref<512xi32, #tpu.memory_space<vmem>> -> memref<128xi32, #tpu.memory_space<vmem>>
    %dma_start3A_14 = arith.constant 0 : i32
    %dma_start3A_15 = arith.constant 0 : i32
    %dma_start3A_16 = tpu.memref_slice %arg4[%dma_start3A_14, %dma_start3A_15] : memref<1000000x128xf32, #tpu.memory_space<hbm>> -> memref<1000000x128xf32, #tpu.memory_space<hbm>>
    tpu.enqueue_indirect_dma source(%dma_start3A_16 : memref<1000000x128xf32, #tpu.memory_space<hbm>>) target(%arg12 : memref<128x128xf32, #tpu.memory_space<vmem>>) offsets(%dma_start3A_13 : memref<128xi32, #tpu.memory_space<vmem>>) semaphore(%arg19 : memref<!tpu.dma_semaphore, #tpu.memory_space<semaphore_mem>>)
    %dma_start3A_17 = arith.constant 128 : i32
    %dma_start3A_18 = tpu.memref_slice %arg10[%dma_start3A_17] : memref<512xi32, #tpu.memory_space<vmem>> -> memref<128xi32, #tpu.memory_space<vmem>>
    %dma_start3A_19 = arith.constant 0 : i32
    %dma_start3A_20 = arith.constant 0 : i32
    %dma_start3A_21 = tpu.memref_slice %arg5[%dma_start3A_19, %dma_start3A_20] : memref<1000000x128xf32, #tpu.memory_space<hbm>> -> memref<1000000x128xf32, #tpu.memory_space<hbm>>
    tpu.enqueue_indirect_dma source(%dma_start3A_21 : memref<1000000x128xf32, #tpu.memory_space<hbm>>) target(%arg15 : memref<128x128xf32, #tpu.memory_space<vmem>>) offsets(%dma_start3A_18 : memref<128xi32, #tpu.memory_space<vmem>>) semaphore(%arg19 : memref<!tpu.dma_semaphore, #tpu.memory_space<semaphore_mem>>)
    %dma_start3A_22 = arith.constant 256 : i32
    %dma_start3A_23 = tpu.memref_slice %arg9[%dma_start3A_22] : memref<512xi32, #tpu.memory_space<vmem>> -> memref<128xi32, #tpu.memory_space<vmem>>
    %dma_start3A_24 = arith.constant 0 : i32
    %dma_start3A_25 = arith.constant 0 : i32
    %dma_start3A_26 = tpu.memref_slice %arg4[%dma_start3A_24, %dma_start3A_25] : memref<1000000x128xf32, #tpu.memory_space<hbm>> -> memref<1000000x128xf32, #tpu.memory_space<hbm>>
    tpu.enqueue_indirect_dma source(%dma_start3A_26 : memref<1000000x128xf32, #tpu.memory_space<hbm>>) target(%arg13 : memref<128x128xf32, #tpu.memory_space<vmem>>) offsets(%dma_start3A_23 : memref<128xi32, #tpu.memory_space<vmem>>) semaphore(%arg20 : memref<!tpu.dma_semaphore, #tpu.memory_space<semaphore_mem>>)
    %dma_start3A_27 = arith.constant 256 : i32
    %dma_start3A_28 = tpu.memref_slice %arg10[%dma_start3A_27] : memref<512xi32, #tpu.memory_space<vmem>> -> memref<128xi32, #tpu.memory_space<vmem>>
    %dma_start3A_29 = arith.constant 0 : i32
    %dma_start3A_30 = arith.constant 0 : i32
    %dma_start3A_31 = tpu.memref_slice %arg5[%dma_start3A_29, %dma_start3A_30] : memref<1000000x128xf32, #tpu.memory_space<hbm>> -> memref<1000000x128xf32, #tpu.memory_space<hbm>>
    tpu.enqueue_indirect_dma source(%dma_start3A_31 : memref<1000000x128xf32, #tpu.memory_space<hbm>>) target(%arg16 : memref<128x128xf32, #tpu.memory_space<vmem>>) offsets(%dma_start3A_28 : memref<128xi32, #tpu.memory_space<vmem>>) semaphore(%arg20 : memref<!tpu.dma_semaphore, #tpu.memory_space<semaphore_mem>>)
    %dma_wait3A = arith.constant 0 : i32
    %dma_wait3A_32 = tpu.memref_slice %arg9[%dma_wait3A] : memref<512xi32, #tpu.memory_space<vmem>> -> memref<128xi32, #tpu.memory_space<vmem>>
    %dma_wait3A_33 = arith.constant 0 : i32
    %dma_wait3A_34 = arith.constant 0 : i32
    %dma_wait3A_35 = tpu.memref_slice %arg4[%dma_wait3A_33, %dma_wait3A_34] : memref<1000000x128xf32, #tpu.memory_space<hbm>> -> memref<1000000x128xf32, #tpu.memory_space<hbm>>
    tpu.wait_indirect_dma semaphore(%arg18 : memref<!tpu.dma_semaphore, #tpu.memory_space<semaphore_mem>>) src(%dma_wait3A_35 : memref<1000000x128xf32, #tpu.memory_space<hbm>>) dst(%arg11 : memref<128x128xf32, #tpu.memory_space<vmem>>)
    %dma_wait3A_36 = arith.constant 0 : i32
    %dma_wait3A_37 = tpu.memref_slice %arg10[%dma_wait3A_36] : memref<512xi32, #tpu.memory_space<vmem>> -> memref<128xi32, #tpu.memory_space<vmem>>
    %dma_wait3A_38 = arith.constant 0 : i32
    %dma_wait3A_39 = arith.constant 0 : i32
    %dma_wait3A_40 = tpu.memref_slice %arg5[%dma_wait3A_38, %dma_wait3A_39] : memref<1000000x128xf32, #tpu.memory_space<hbm>> -> memref<1000000x128xf32, #tpu.memory_space<hbm>>
    tpu.wait_indirect_dma semaphore(%arg18 : memref<!tpu.dma_semaphore, #tpu.memory_space<semaphore_mem>>) src(%dma_wait3A_40 : memref<1000000x128xf32, #tpu.memory_space<hbm>>) dst(%arg14 : memref<128x128xf32, #tpu.memory_space<vmem>>)
    %add3A_41 = arith.constant 0 : i32
    %add3A_42 = arith.addi %mul3A_2, %add3A_41 : i32
    %dma_start3A_43 = arith.constant 0 : i32
    %dma_start3A_44 = tpu.memref_slice %arg7[%add3A_42, %dma_start3A_43] : memref<16384x128xf32, #tpu.memory_space<hbm>> -> memref<128x128xf32, #tpu.memory_space<hbm>>
    %dma_start3A_45 = arith.constant 0 : i32
    %dma_start3A_46 = tpu.memref_slice %arg7[%add3A_42, %dma_start3A_45] : memref<16384x128xf32, #tpu.memory_space<hbm>> -> memref<128x128xf32, #tpu.memory_space<hbm>>
    tpu.enqueue_dma source(%arg11 : memref<128x128xf32, #tpu.memory_space<vmem>>) target(%dma_start3A_46 : memref<128x128xf32, #tpu.memory_space<hbm>>) target_semaphore(%arg21 : memref<!tpu.dma_semaphore, #tpu.memory_space<semaphore_mem>>)
    %add3A_47 = arith.constant 0 : i32
    %add3A_48 = arith.addi %mul3A_2, %add3A_47 : i32
    %dma_start3A_49 = arith.constant 0 : i32
    %dma_start3A_50 = tpu.memref_slice %arg8[%add3A_48, %dma_start3A_49] : memref<16384x128xf32, #tpu.memory_space<hbm>> -> memref<128x128xf32, #tpu.memory_space<hbm>>
    %dma_start3A_51 = arith.constant 0 : i32
    %dma_start3A_52 = tpu.memref_slice %arg8[%add3A_48, %dma_start3A_51] : memref<16384x128xf32, #tpu.memory_space<hbm>> -> memref<128x128xf32, #tpu.memory_space<hbm>>
    tpu.enqueue_dma source(%arg14 : memref<128x128xf32, #tpu.memory_space<vmem>>) target(%dma_start3A_52 : memref<128x128xf32, #tpu.memory_space<hbm>>) target_semaphore(%arg21 : memref<!tpu.dma_semaphore, #tpu.memory_space<semaphore_mem>>)
    %scan3A = arith.constant 0 : i32
    %scan3A_53 = arith.constant 0 : i32
    %scan3A_54 = arith.constant 8 : i32
    %scan3A_55 = arith.addi %scan3A_53, %scan3A_54 : i32
    %scan3A_56 = arith.constant 1 : i32
    %scan3A_57 = scf.for %scan3A_188 = %scan3A_53 to %scan3A_55 step %scan3A_56 iter_args(%scan3A_189 = %scan3A) -> (i32)  : i32 {
      %mul3A_190 = arith.constant 16 : i32
      %mul3A_191 = arith.muli %scan3A_188, %mul3A_190 : i32
      %broadcast_in_dim3A = arith.constant 0.000000e+00 : f32
      %broadcast_in_dim3A_192 = vector.broadcast %broadcast_in_dim3A : f32 to vector<16xf32>
      %scan3A_193 = arith.constant 0 : i32
      %scan3A_194 = arith.constant 16 : i32
      %scan3A_195 = arith.addi %scan3A_193, %scan3A_194 : i32
      %scan3A_196 = arith.constant 2 : i32
      %scan3A_197 = scf.for %scan3A_203 = %scan3A_193 to %scan3A_195 step %scan3A_196 iter_args(%scan3A_204 = %broadcast_in_dim3A_192) -> (vector<16xf32>)  : i32 {
        %add3A_205 = arith.addi %mul3A_191, %scan3A_203 : i32
        %add3A_206 = arith.addi %mul3A_191, %scan3A_203 : i32
        %get3A = arith.constant 0 : i32
        %get3A_207 = tpu.memref_slice %arg11[%add3A_205, %get3A] : memref<128x128xf32, #tpu.memory_space<vmem>> -> memref<1x128xf32, #tpu.memory_space<vmem>>
        %get3A_208 = tpu.memref_squeeze %get3A_207 : memref<1x128xf32, #tpu.memory_space<vmem>> -> memref<128xf32, #tpu.memory_space<vmem>>
        %get3A_209 = arith.constant 0 : index
        %get3A_210 = tpu.vector_load %get3A_208[%get3A_209] {strides = array<i32>} : memref<128xf32, #tpu.memory_space<vmem>>, vector<16xf32>,
        %get3A_211 = arith.constant 0 : i32
        %get3A_212 = tpu.memref_slice %arg14[%add3A_206, %get3A_211] : memref<128x128xf32, #tpu.memory_space<vmem>> -> memref<1x128xf32, #tpu.memory_space<vmem>>
        %get3A_213 = tpu.memref_squeeze %get3A_212 : memref<1x128xf32, #tpu.memory_space<vmem>> -> memref<128xf32, #tpu.memory_space<vmem>>
        %get3A_214 = arith.constant 0 : index
        %get3A_215 = tpu.vector_load %get3A_213[%get3A_214] {strides = array<i32>} : memref<128xf32, #tpu.memory_space<vmem>>, vector<16xf32>,
        %mul3A_216 = arith.mulf %get3A_210, %get3A_215 : vector<16xf32>
        %get3A_217 = arith.constant 0 : i32
        %get3A_218 = tpu.memref_slice %arg11[%add3A_205, %get3A_217] : memref<128x128xf32, #tpu.memory_space<vmem>> -> memref<1x128xf32, #tpu.memory_space<vmem>>
        %get3A_219 = tpu.memref_squeeze %get3A_218 : memref<1x128xf32, #tpu.memory_space<vmem>> -> memref<128xf32, #tpu.memory_space<vmem>>
        %get3A_220 = arith.constant 16 : index
        %get3A_221 = tpu.vector_load %get3A_219[%get3A_220] {strides = array<i32>} : memref<128xf32, #tpu.memory_space<vmem>>, vector<16xf32>,
        %get3A_222 = arith.constant 0 : i32
        %get3A_223 = tpu.memref_slice %arg14[%add3A_206, %get3A_222] : memref<128x128xf32, #tpu.memory_space<vmem>> -> memref<1x128xf32, #tpu.memory_space<vmem>>
        %get3A_224 = tpu.memref_squeeze %get3A_223 : memref<1x128xf32, #tpu.memory_space<vmem>> -> memref<128xf32, #tpu.memory_space<vmem>>
        %get3A_225 = arith.constant 16 : index
        %get3A_226 = tpu.vector_load %get3A_224[%get3A_225] {strides = array<i32>} : memref<128xf32, #tpu.memory_space<vmem>>, vector<16xf32>,
        %mul3A_227 = arith.mulf %get3A_221, %get3A_226 : vector<16xf32>
        %add3A_228 = arith.addf %mul3A_216, %mul3A_227 : vector<16xf32>
        %get3A_229 = arith.constant 0 : i32
        %get3A_230 = tpu.memref_slice %arg11[%add3A_205, %get3A_229] : memref<128x128xf32, #tpu.memory_space<vmem>> -> memref<1x128xf32, #tpu.memory_space<vmem>>
        %get3A_231 = tpu.memref_squeeze %get3A_230 : memref<1x128xf32, #tpu.memory_space<vmem>> -> memref<128xf32, #tpu.memory_space<vmem>>
        %get3A_232 = arith.constant 32 : index
        %get3A_233 = tpu.vector_load %get3A_231[%get3A_232] {strides = array<i32>} : memref<128xf32, #tpu.memory_space<vmem>>, vector<16xf32>,
        %get3A_234 = arith.constant 0 : i32
        %get3A_235 = tpu.memref_slice %arg14[%add3A_206, %get3A_234] : memref<128x128xf32, #tpu.memory_space<vmem>> -> memref<1x128xf32, #tpu.memory_space<vmem>>
        %get3A_236 = tpu.memref_squeeze %get3A_235 : memref<1x128xf32, #tpu.memory_space<vmem>> -> memref<128xf32, #tpu.memory_space<vmem>>
        %get3A_237 = arith.constant 32 : index
        %get3A_238 = tpu.vector_load %get3A_236[%get3A_237] {strides = array<i32>} : memref<128xf32, #tpu.memory_space<vmem>>, vector<16xf32>,
        %mul3A_239 = arith.mulf %get3A_233, %get3A_238 : vector<16xf32>
        %add3A_240 = arith.addf %add3A_228, %mul3A_239 : vector<16xf32>
        %get3A_241 = arith.constant 0 : i32
        %get3A_242 = tpu.memref_slice %arg11[%add3A_205, %get3A_241] : memref<128x128xf32, #tpu.memory_space<vmem>> -> memref<1x128xf32, #tpu.memory_space<vmem>>
        %get3A_243 = tpu.memref_squeeze %get3A_242 : memref<1x128xf32, #tpu.memory_space<vmem>> -> memref<128xf32, #tpu.memory_space<vmem>>
        %get3A_244 = arith.constant 48 : index
        %get3A_245 = tpu.vector_load %get3A_243[%get3A_244] {strides = array<i32>} : memref<128xf32, #tpu.memory_space<vmem>>, vector<16xf32>,
        %get3A_246 = arith.constant 0 : i32
        %get3A_247 = tpu.memref_slice %arg14[%add3A_206, %get3A_246] : memref<128x128xf32, #tpu.memory_space<vmem>> -> memref<1x128xf32, #tpu.memory_space<vmem>>
        %get3A_248 = tpu.memref_squeeze %get3A_247 : memref<1x128xf32, #tpu.memory_space<vmem>> -> memref<128xf32, #tpu.memory_space<vmem>>
        %get3A_249 = arith.constant 48 : index
        %get3A_250 = tpu.vector_load %get3A_248[%get3A_249] {strides = array<i32>} : memref<128xf32, #tpu.memory_space<vmem>>, vector<16xf32>,
        %mul3A_251 = arith.mulf %get3A_245, %get3A_250 : vector<16xf32>
        %add3A_252 = arith.addf %add3A_240, %mul3A_251 : vector<16xf32>
        %get3A_253 = arith.constant 0 : i32
        %get3A_254 = tpu.memref_slice %arg11[%add3A_205, %get3A_253] : memref<128x128xf32, #tpu.memory_space<vmem>> -> memref<1x128xf32, #tpu.memory_space<vmem>>
        %get3A_255 = tpu.memref_squeeze %get3A_254 : memref<1x128xf32, #tpu.memory_space<vmem>> -> memref<128xf32, #tpu.memory_space<vmem>>
        %get3A_256 = arith.constant 64 : index
        %get3A_257 = tpu.vector_load %get3A_255[%get3A_256] {strides = array<i32>} : memref<128xf32, #tpu.memory_space<vmem>>, vector<16xf32>,
        %get3A_258 = arith.constant 0 : i32
        %get3A_259 = tpu.memref_slice %arg14[%add3A_206, %get3A_258] : memref<128x128xf32, #tpu.memory_space<vmem>> -> memref<1x128xf32, #tpu.memory_space<vmem>>
        %get3A_260 = tpu.memref_squeeze %get3A_259 : memref<1x128xf32, #tpu.memory_space<vmem>> -> memref<128xf32, #tpu.memory_space<vmem>>
        %get3A_261 = arith.constant 64 : index
        %get3A_262 = tpu.vector_load %get3A_260[%get3A_261] {strides = array<i32>} : memref<128xf32, #tpu.memory_space<vmem>>, vector<16xf32>,
        %mul3A_263 = arith.mulf %get3A_257, %get3A_262 : vector<16xf32>
        %add3A_264 = arith.addf %add3A_252, %mul3A_263 : vector<16xf32>
        %get3A_265 = arith.constant 0 : i32
        %get3A_266 = tpu.memref_slice %arg11[%add3A_205, %get3A_265] : memref<128x128xf32, #tpu.memory_space<vmem>> -> memref<1x128xf32, #tpu.memory_space<vmem>>
        %get3A_267 = tpu.memref_squeeze %get3A_266 : memref<1x128xf32, #tpu.memory_space<vmem>> -> memref<128xf32, #tpu.memory_space<vmem>>
        %get3A_268 = arith.constant 80 : index
        %get3A_269 = tpu.vector_load %get3A_267[%get3A_268] {strides = array<i32>} : memref<128xf32, #tpu.memory_space<vmem>>, vector<16xf32>,
        %get3A_270 = arith.constant 0 : i32
        %get3A_271 = tpu.memref_slice %arg14[%add3A_206, %get3A_270] : memref<128x128xf32, #tpu.memory_space<vmem>> -> memref<1x128xf32, #tpu.memory_space<vmem>>
        %get3A_272 = tpu.memref_squeeze %get3A_271 : memref<1x128xf32, #tpu.memory_space<vmem>> -> memref<128xf32, #tpu.memory_space<vmem>>
        %get3A_273 = arith.constant 80 : index
        %get3A_274 = tpu.vector_load %get3A_272[%get3A_273] {strides = array<i32>} : memref<128xf32, #tpu.memory_space<vmem>>, vector<16xf32>,
        %mul3A_275 = arith.mulf %get3A_269, %get3A_274 : vector<16xf32>
        %add3A_276 = arith.addf %add3A_264, %mul3A_275 : vector<16xf32>
        %get3A_277 = arith.constant 0 : i32
        %get3A_278 = tpu.memref_slice %arg11[%add3A_205, %get3A_277] : memref<128x128xf32, #tpu.memory_space<vmem>> -> memref<1x128xf32, #tpu.memory_space<vmem>>
        %get3A_279 = tpu.memref_squeeze %get3A_278 : memref<1x128xf32, #tpu.memory_space<vmem>> -> memref<128xf32, #tpu.memory_space<vmem>>
        %get3A_280 = arith.constant 96 : index
        %get3A_281 = tpu.vector_load %get3A_279[%get3A_280] {strides = array<i32>} : memref<128xf32, #tpu.memory_space<vmem>>, vector<16xf32>,
        %get3A_282 = arith.constant 0 : i32
        %get3A_283 = tpu.memref_slice %arg14[%add3A_206, %get3A_282] : memref<128x128xf32, #tpu.memory_space<vmem>> -> memref<1x128xf32, #tpu.memory_space<vmem>>
        %get3A_284 = tpu.memref_squeeze %get3A_283 : memref<1x128xf32, #tpu.memory_space<vmem>> -> memref<128xf32, #tpu.memory_space<vmem>>
        %get3A_285 = arith.constant 96 : index
        %get3A_286 = tpu.vector_load %get3A_284[%get3A_285] {strides = array<i32>} : memref<128xf32, #tpu.memory_space<vmem>>, vector<16xf32>,
        %mul3A_287 = arith.mulf %get3A_281, %get3A_286 : vector<16xf32>
        %add3A_288 = arith.addf %add3A_276, %mul3A_287 : vector<16xf32>
        %get3A_289 = arith.constant 0 : i32
        %get3A_290 = tpu.memref_slice %arg11[%add3A_205, %get3A_289] : memref<128x128xf32, #tpu.memory_space<vmem>> -> memref<1x128xf32, #tpu.memory_space<vmem>>
        %get3A_291 = tpu.memref_squeeze %get3A_290 : memref<1x128xf32, #tpu.memory_space<vmem>> -> memref<128xf32, #tpu.memory_space<vmem>>
        %get3A_292 = arith.constant 112 : index
        %get3A_293 = tpu.vector_load %get3A_291[%get3A_292] {strides = array<i32>} : memref<128xf32, #tpu.memory_space<vmem>>, vector<16xf32>,
        %get3A_294 = arith.constant 0 : i32
        %get3A_295 = tpu.memref_slice %arg14[%add3A_206, %get3A_294] : memref<128x128xf32, #tpu.memory_space<vmem>> -> memref<1x128xf32, #tpu.memory_space<vmem>>
        %get3A_296 = tpu.memref_squeeze %get3A_295 : memref<1x128xf32, #tpu.memory_space<vmem>> -> memref<128xf32, #tpu.memory_space<vmem>>
        %get3A_297 = arith.constant 112 : index
        %get3A_298 = tpu.vector_load %get3A_296[%get3A_297] {strides = array<i32>} : memref<128xf32, #tpu.memory_space<vmem>>, vector<16xf32>,
        %mul3A_299 = arith.mulf %get3A_293, %get3A_298 : vector<16xf32>
        %add3A_300 = arith.addf %add3A_288, %mul3A_299 : vector<16xf32>
        %eq3A = vector.broadcast %scan3A_203 : i32 to vector<16xi32>
        %eq3A_301 = arith.cmpi eq, %iota3A, %eq3A : vector<16xi32>
        %reduce_sum3A = arith.constant true
        %reduce_sum3A_302 = vector.broadcast %reduce_sum3A : i1 to vector<16xi1>
        %reduce_sum3A_303 = tpu.scan <sum>, %add3A_300 masked %reduce_sum3A_302 : vector<16xf32>, vector<16xi1> -> vector<16xf32>
        %reduce_sum3A_304 = vector.extract %reduce_sum3A_303[15] : f32 from vector<16xf32>
        %jit3A = arith.constant 0.000000e+00 : f32
        %broadcast_in_dim3A_305 = vector.broadcast %reduce_sum3A_304 : f32 to vector<16xf32>
        %broadcast_in_dim3A_306 = vector.broadcast %jit3A : f32 to vector<16xf32>
        %select_n3A = arith.select %eq3A_301, %broadcast_in_dim3A_305, %broadcast_in_dim3A_306 : vector<16xi1>, vector<16xf32>
        %add3A_307 = arith.addf %scan3A_204, %select_n3A : vector<16xf32>
        %scan3A_308 = arith.constant 1 : i32
        %scan3A_309 = arith.addi %scan3A_203, %scan3A_308 : i32
        %add3A_310 = arith.addi %mul3A_191, %scan3A_309 : i32
        %add3A_311 = arith.addi %mul3A_191, %scan3A_309 : i32
        %get3A_312 = arith.constant 0 : i32
        %get3A_313 = tpu.memref_slice %arg11[%add3A_310, %get3A_312] : memref<128x128xf32, #tpu.memory_space<vmem>> -> memref<1x128xf32, #tpu.memory_space<vmem>>
        %get3A_314 = tpu.memref_squeeze %get3A_313 : memref<1x128xf32, #tpu.memory_space<vmem>> -> memref<128xf32, #tpu.memory_space<vmem>>
        %get3A_315 = arith.constant 0 : index
        %get3A_316 = tpu.vector_load %get3A_314[%get3A_315] {strides = array<i32>} : memref<128xf32, #tpu.memory_space<vmem>>, vector<16xf32>,
        %get3A_317 = arith.constant 0 : i32
        %get3A_318 = tpu.memref_slice %arg14[%add3A_311, %get3A_317] : memref<128x128xf32, #tpu.memory_space<vmem>> -> memref<1x128xf32, #tpu.memory_space<vmem>>
        %get3A_319 = tpu.memref_squeeze %get3A_318 : memref<1x128xf32, #tpu.memory_space<vmem>> -> memref<128xf32, #tpu.memory_space<vmem>>
        %get3A_320 = arith.constant 0 : index
        %get3A_321 = tpu.vector_load %get3A_319[%get3A_320] {strides = array<i32>} : memref<128xf32, #tpu.memory_space<vmem>>, vector<16xf32>,
        %mul3A_322 = arith.mulf %get3A_316, %get3A_321 : vector<16xf32>
        %get3A_323 = arith.constant 0 : i32
        %get3A_324 = tpu.memref_slice %arg11[%add3A_310, %get3A_323] : memref<128x128xf32, #tpu.memory_space<vmem>> -> memref<1x128xf32, #tpu.memory_space<vmem>>
        %get3A_325 = tpu.memref_squeeze %get3A_324 : memref<1x128xf32, #tpu.memory_space<vmem>> -> memref<128xf32, #tpu.memory_space<vmem>>
        %get3A_326 = arith.constant 16 : index
        %get3A_327 = tpu.vector_load %get3A_325[%get3A_326] {strides = array<i32>} : memref<128xf32, #tpu.memory_space<vmem>>, vector<16xf32>,
        %get3A_328 = arith.constant 0 : i32
        %get3A_329 = tpu.memref_slice %arg14[%add3A_311, %get3A_328] : memref<128x128xf32, #tpu.memory_space<vmem>> -> memref<1x128xf32, #tpu.memory_space<vmem>>
        %get3A_330 = tpu.memref_squeeze %get3A_329 : memref<1x128xf32, #tpu.memory_space<vmem>> -> memref<128xf32, #tpu.memory_space<vmem>>
        %get3A_331 = arith.constant 16 : index
        %get3A_332 = tpu.vector_load %get3A_330[%get3A_331] {strides = array<i32>} : memref<128xf32, #tpu.memory_space<vmem>>, vector<16xf32>,
        %mul3A_333 = arith.mulf %get3A_327, %get3A_332 : vector<16xf32>
        %add3A_334 = arith.addf %mul3A_322, %mul3A_333 : vector<16xf32>
        %get3A_335 = arith.constant 0 : i32
        %get3A_336 = tpu.memref_slice %arg11[%add3A_310, %get3A_335] : memref<128x128xf32, #tpu.memory_space<vmem>> -> memref<1x128xf32, #tpu.memory_space<vmem>>
        %get3A_337 = tpu.memref_squeeze %get3A_336 : memref<1x128xf32, #tpu.memory_space<vmem>> -> memref<128xf32, #tpu.memory_space<vmem>>
        %get3A_338 = arith.constant 32 : index
        %get3A_339 = tpu.vector_load %get3A_337[%get3A_338] {strides = array<i32>} : memref<128xf32, #tpu.memory_space<vmem>>, vector<16xf32>,
        %get3A_340 = arith.constant 0 : i32
        %get3A_341 = tpu.memref_slice %arg14[%add3A_311, %get3A_340] : memref<128x128xf32, #tpu.memory_space<vmem>> -> memref<1x128xf32, #tpu.memory_space<vmem>>
        %get3A_342 = tpu.memref_squeeze %get3A_341 : memref<1x128xf32, #tpu.memory_space<vmem>> -> memref<128xf32, #tpu.memory_space<vmem>>
        %get3A_343 = arith.constant 32 : index
        %get3A_344 = tpu.vector_load %get3A_342[%get3A_343] {strides = array<i32>} : memref<128xf32, #tpu.memory_space<vmem>>, vector<16xf32>,
        %mul3A_345 = arith.mulf %get3A_339, %get3A_344 : vector<16xf32>
        %add3A_346 = arith.addf %add3A_334, %mul3A_345 : vector<16xf32>
        %get3A_347 = arith.constant 0 : i32
        %get3A_348 = tpu.memref_slice %arg11[%add3A_310, %get3A_347] : memref<128x128xf32, #tpu.memory_space<vmem>> -> memref<1x128xf32, #tpu.memory_space<vmem>>
        %get3A_349 = tpu.memref_squeeze %get3A_348 : memref<1x128xf32, #tpu.memory_space<vmem>> -> memref<128xf32, #tpu.memory_space<vmem>>
        %get3A_350 = arith.constant 48 : index
        %get3A_351 = tpu.vector_load %get3A_349[%get3A_350] {strides = array<i32>} : memref<128xf32, #tpu.memory_space<vmem>>, vector<16xf32>,
        %get3A_352 = arith.constant 0 : i32
        %get3A_353 = tpu.memref_slice %arg14[%add3A_311, %get3A_352] : memref<128x128xf32, #tpu.memory_space<vmem>> -> memref<1x128xf32, #tpu.memory_space<vmem>>
        %get3A_354 = tpu.memref_squeeze %get3A_353 : memref<1x128xf32, #tpu.memory_space<vmem>> -> memref<128xf32, #tpu.memory_space<vmem>>
        %get3A_355 = arith.constant 48 : index
        %get3A_356 = tpu.vector_load %get3A_354[%get3A_355] {strides = array<i32>} : memref<128xf32, #tpu.memory_space<vmem>>, vector<16xf32>,
        %mul3A_357 = arith.mulf %get3A_351, %get3A_356 : vector<16xf32>
        %add3A_358 = arith.addf %add3A_346, %mul3A_357 : vector<16xf32>
        %get3A_359 = arith.constant 0 : i32
        %get3A_360 = tpu.memref_slice %arg11[%add3A_310, %get3A_359] : memref<128x128xf32, #tpu.memory_space<vmem>> -> memref<1x128xf32, #tpu.memory_space<vmem>>
        %get3A_361 = tpu.memref_squeeze %get3A_360 : memref<1x128xf32, #tpu.memory_space<vmem>> -> memref<128xf32, #tpu.memory_space<vmem>>
        %get3A_362 = arith.constant 64 : index
        %get3A_363 = tpu.vector_load %get3A_361[%get3A_362] {strides = array<i32>} : memref<128xf32, #tpu.memory_space<vmem>>, vector<16xf32>,
        %get3A_364 = arith.constant 0 : i32
        %get3A_365 = tpu.memref_slice %arg14[%add3A_311, %get3A_364] : memref<128x128xf32, #tpu.memory_space<vmem>> -> memref<1x128xf32, #tpu.memory_space<vmem>>
        %get3A_366 = tpu.memref_squeeze %get3A_365 : memref<1x128xf32, #tpu.memory_space<vmem>> -> memref<128xf32, #tpu.memory_space<vmem>>
        %get3A_367 = arith.constant 64 : index
        %get3A_368 = tpu.vector_load %get3A_366[%get3A_367] {strides = array<i32>} : memref<128xf32, #tpu.memory_space<vmem>>, vector<16xf32>,
        %mul3A_369 = arith.mulf %get3A_363, %get3A_368 : vector<16xf32>
        %add3A_370 = arith.addf %add3A_358, %mul3A_369 : vector<16xf32>
        %get3A_371 = arith.constant 0 : i32
        %get3A_372 = tpu.memref_slice %arg11[%add3A_310, %get3A_371] : memref<128x128xf32, #tpu.memory_space<vmem>> -> memref<1x128xf32, #tpu.memory_space<vmem>>
        %get3A_373 = tpu.memref_squeeze %get3A_372 : memref<1x128xf32, #tpu.memory_space<vmem>> -> memref<128xf32, #tpu.memory_space<vmem>>
        %get3A_374 = arith.constant 80 : index
        %get3A_375 = tpu.vector_load %get3A_373[%get3A_374] {strides = array<i32>} : memref<128xf32, #tpu.memory_space<vmem>>, vector<16xf32>,
        %get3A_376 = arith.constant 0 : i32
        %get3A_377 = tpu.memref_slice %arg14[%add3A_311, %get3A_376] : memref<128x128xf32, #tpu.memory_space<vmem>> -> memref<1x128xf32, #tpu.memory_space<vmem>>
        %get3A_378 = tpu.memref_squeeze %get3A_377 : memref<1x128xf32, #tpu.memory_space<vmem>> -> memref<128xf32, #tpu.memory_space<vmem>>
        %get3A_379 = arith.constant 80 : index
        %get3A_380 = tpu.vector_load %get3A_378[%get3A_379] {strides = array<i32>} : memref<128xf32, #tpu.memory_space<vmem>>, vector<16xf32>,
        %mul3A_381 = arith.mulf %get3A_375, %get3A_380 : vector<16xf32>
        %add3A_382 = arith.addf %add3A_370, %mul3A_381 : vector<16xf32>
        %get3A_383 = arith.constant 0 : i32
        %get3A_384 = tpu.memref_slice %arg11[%add3A_310, %get3A_383] : memref<128x128xf32, #tpu.memory_space<vmem>> -> memref<1x128xf32, #tpu.memory_space<vmem>>
        %get3A_385 = tpu.memref_squeeze %get3A_384 : memref<1x128xf32, #tpu.memory_space<vmem>> -> memref<128xf32, #tpu.memory_space<vmem>>
        %get3A_386 = arith.constant 96 : index
        %get3A_387 = tpu.vector_load %get3A_385[%get3A_386] {strides = array<i32>} : memref<128xf32, #tpu.memory_space<vmem>>, vector<16xf32>,
        %get3A_388 = arith.constant 0 : i32
        %get3A_389 = tpu.memref_slice %arg14[%add3A_311, %get3A_388] : memref<128x128xf32, #tpu.memory_space<vmem>> -> memref<1x128xf32, #tpu.memory_space<vmem>>
        %get3A_390 = tpu.memref_squeeze %get3A_389 : memref<1x128xf32, #tpu.memory_space<vmem>> -> memref<128xf32, #tpu.memory_space<vmem>>
        %get3A_391 = arith.constant 96 : index
        %get3A_392 = tpu.vector_load %get3A_390[%get3A_391] {strides = array<i32>} : memref<128xf32, #tpu.memory_space<vmem>>, vector<16xf32>,
        %mul3A_393 = arith.mulf %get3A_387, %get3A_392 : vector<16xf32>
        %add3A_394 = arith.addf %add3A_382, %mul3A_393 : vector<16xf32>
        %get3A_395 = arith.constant 0 : i32
        %get3A_396 = tpu.memref_slice %arg11[%add3A_310, %get3A_395] : memref<128x128xf32, #tpu.memory_space<vmem>> -> memref<1x128xf32, #tpu.memory_space<vmem>>
        %get3A_397 = tpu.memref_squeeze %get3A_396 : memref<1x128xf32, #tpu.memory_space<vmem>> -> memref<128xf32, #tpu.memory_space<vmem>>
        %get3A_398 = arith.constant 112 : index
        %get3A_399 = tpu.vector_load %get3A_397[%get3A_398] {strides = array<i32>} : memref<128xf32, #tpu.memory_space<vmem>>, vector<16xf32>,
        %get3A_400 = arith.constant 0 : i32
        %get3A_401 = tpu.memref_slice %arg14[%add3A_311, %get3A_400] : memref<128x128xf32, #tpu.memory_space<vmem>> -> memref<1x128xf32, #tpu.memory_space<vmem>>
        %get3A_402 = tpu.memref_squeeze %get3A_401 : memref<1x128xf32, #tpu.memory_space<vmem>> -> memref<128xf32, #tpu.memory_space<vmem>>
        %get3A_403 = arith.constant 112 : index
        %get3A_404 = tpu.vector_load %get3A_402[%get3A_403] {strides = array<i32>} : memref<128xf32, #tpu.memory_space<vmem>>, vector<16xf32>,
        %mul3A_405 = arith.mulf %get3A_399, %get3A_404 : vector<16xf32>
        %add3A_406 = arith.addf %add3A_394, %mul3A_405 : vector<16xf32>
        %eq3A_407 = vector.broadcast %scan3A_309 : i32 to vector<16xi32>
        %eq3A_408 = arith.cmpi eq, %iota3A, %eq3A_407 : vector<16xi32>
        %reduce_sum3A_409 = arith.constant true
        %reduce_sum3A_410 = vector.broadcast %reduce_sum3A_409 : i1 to vector<16xi1>
        %reduce_sum3A_411 = tpu.scan <sum>, %add3A_406 masked %reduce_sum3A_410 : vector<16xf32>, vector<16xi1> -> vector<16xf32>
        %reduce_sum3A_412 = vector.extract %reduce_sum3A_411[15] : f32 from vector<16xf32>
        %jit3A_413 = arith.constant 0.000000e+00 : f32
        %broadcast_in_dim3A_414 = vector.broadcast %reduce_sum3A_412 : f32 to vector<16xf32>
        %broadcast_in_dim3A_415 = vector.broadcast %jit3A_413 : f32 to vector<16xf32>
        %select_n3A_416 = arith.select %eq3A_408, %broadcast_in_dim3A_414, %broadcast_in_dim3A_415 : vector<16xi1>, vector<16xf32>
        %add3A_417 = arith.addf %add3A_307, %select_n3A_416 : vector<16xf32>
        scf.yield %add3A_417 : vector<16xf32>
      }
      %scan3A_198 = arith.constant 16 : i32
      %add3A_199 = arith.constant 0 : i32
      %add3A_200 = arith.addi %add3A_199, %mul3A_191 : i32
      %swap3A = arith.index_cast %add3A_200 : i32 to index
      %swap3A_201 = tpu.vector_load %arg17[%swap3A] {strides = array<i32>} : memref<512xf32, #tpu.memory_space<vmem>>, vector<16xf32>,
      tpu.vector_store %arg17[%swap3A], %scan3A_197 {strides = array<i32>} : memref<512xf32, #tpu.memory_space<vmem>>, vector<16xf32>,
      %scan3A_202 = arith.constant 0 : i32
      scf.yield %scan3A_202 : i32
    }
    %scan3A_58 = arith.constant 8 : i32
    %dma_wait3A_59 = arith.constant 0 : i32
    %dma_wait3A_60 = tpu.memref_slice %arg7[%add3A_42, %dma_wait3A_59] : memref<16384x128xf32, #tpu.memory_space<hbm>> -> memref<128x128xf32, #tpu.memory_space<hbm>>
    %dma_wait3A_61 = arith.constant 0 : i32
    %dma_wait3A_62 = tpu.memref_slice %arg7[%add3A_42, %dma_wait3A_61] : memref<16384x128xf32, #tpu.memory_space<hbm>> -> memref<128x128xf32, #tpu.memory_space<hbm>>
    tpu.wait_dma2 semaphore(%arg21 : memref<!tpu.dma_semaphore, #tpu.memory_space<semaphore_mem>>) src(%arg11 : memref<128x128xf32, #tpu.memory_space<vmem>>) dst(%dma_wait3A_62 : memref<128x128xf32, #tpu.memory_space<hbm>>)
    %dma_wait3A_63 = arith.constant 0 : i32
    %dma_wait3A_64 = tpu.memref_slice %arg8[%add3A_48, %dma_wait3A_63] : memref<16384x128xf32, #tpu.memory_space<hbm>> -> memref<128x128xf32, #tpu.memory_space<hbm>>
    %dma_wait3A_65 = arith.constant 0 : i32
    %dma_wait3A_66 = tpu.memref_slice %arg8[%add3A_48, %dma_wait3A_65] : memref<16384x128xf32, #tpu.memory_space<hbm>> -> memref<128x128xf32, #tpu.memory_space<hbm>>
    tpu.wait_dma2 semaphore(%arg21 : memref<!tpu.dma_semaphore, #tpu.memory_space<semaphore_mem>>) src(%arg14 : memref<128x128xf32, #tpu.memory_space<vmem>>) dst(%dma_wait3A_66 : memref<128x128xf32, #tpu.memory_space<hbm>>)
    %dma_start3A_67 = arith.constant 384 : i32
    %dma_start3A_68 = tpu.memref_slice %arg9[%dma_start3A_67] : memref<512xi32, #tpu.memory_space<vmem>> -> memref<128xi32, #tpu.memory_space<vmem>>
    %dma_start3A_69 = arith.constant 0 : i32
    %dma_start3A_70 = arith.constant 0 : i32
    %dma_start3A_71 = tpu.memref_slice %arg4[%dma_start3A_69, %dma_start3A_70] : memref<1000000x128xf32, #tpu.memory_space<hbm>> -> memref<1000000x128xf32, #tpu.memory_space<hbm>>
    tpu.enqueue_indirect_dma source(%dma_start3A_71 : memref<1000000x128xf32, #tpu.memory_space<hbm>>) target(%arg11 : memref<128x128xf32, #tpu.memory_space<vmem>>) offsets(%dma_start3A_68 : memref<128xi32, #tpu.memory_space<vmem>>) semaphore(%arg18 : memref<!tpu.dma_semaphore, #tpu.memory_space<semaphore_mem>>)
    %dma_start3A_72 = arith.constant 384 : i32
    %dma_start3A_73 = tpu.memref_slice %arg10[%dma_start3A_72] : memref<512xi32, #tpu.memory_space<vmem>> -> memref<128xi32, #tpu.memory_space<vmem>>
    %dma_start3A_74 = arith.constant 0 : i32
    %dma_start3A_75 = arith.constant 0 : i32
    %dma_start3A_76 = tpu.memref_slice %arg5[%dma_start3A_74, %dma_start3A_75] : memref<1000000x128xf32, #tpu.memory_space<hbm>> -> memref<1000000x128xf32, #tpu.memory_space<hbm>>
    tpu.enqueue_indirect_dma source(%dma_start3A_76 : memref<1000000x128xf32, #tpu.memory_space<hbm>>) target(%arg14 : memref<128x128xf32, #tpu.memory_space<vmem>>) offsets(%dma_start3A_73 : memref<128xi32, #tpu.memory_space<vmem>>) semaphore(%arg18 : memref<!tpu.dma_semaphore, #tpu.memory_space<semaphore_mem>>)
    %dma_wait3A_77 = arith.constant 128 : i32
    %dma_wait3A_78 = tpu.memref_slice %arg9[%dma_wait3A_77] : memref<512xi32, #tpu.memory_space<vmem>> -> memref<128xi32, #tpu.memory_space<vmem>>
    %dma_wait3A_79 = arith.constant 0 : i32
    %dma_wait3A_80 = arith.constant 0 : i32
    %dma_wait3A_81 = tpu.memref_slice %arg4[%dma_wait3A_79, %dma_wait3A_80] : memref<1000000x128xf32, #tpu.memory_space<hbm>> -> memref<1000000x128xf32, #tpu.memory_space<hbm>>
    tpu.wait_indirect_dma semaphore(%arg19 : memref<!tpu.dma_semaphore, #tpu.memory_space<semaphore_mem>>) src(%dma_wait3A_81 : memref<1000000x128xf32, #tpu.memory_space<hbm>>) dst(%arg12 : memref<128x128xf32, #tpu.memory_space<vmem>>)
    %dma_wait3A_82 = arith.constant 128 : i32
    %dma_wait3A_83 = tpu.memref_slice %arg10[%dma_wait3A_82] : memref<512xi32, #tpu.memory_space<vmem>> -> memref<128xi32, #tpu.memory_space<vmem>>
    %dma_wait3A_84 = arith.constant 0 : i32
    %dma_wait3A_85 = arith.constant 0 : i32
    %dma_wait3A_86 = tpu.memref_slice %arg5[%dma_wait3A_84, %dma_wait3A_85] : memref<1000000x128xf32, #tpu.memory_space<hbm>> -> memref<1000000x128xf32, #tpu.memory_space<hbm>>
    tpu.wait_indirect_dma semaphore(%arg19 : memref<!tpu.dma_semaphore, #tpu.memory_space<semaphore_mem>>) src(%dma_wait3A_86 : memref<1000000x128xf32, #tpu.memory_space<hbm>>) dst(%arg15 : memref<128x128xf32, #tpu.memory_space<vmem>>)
    %add3A_87 = arith.constant 128 : i32
    %add3A_88 = arith.addi %mul3A_2, %add3A_87 : i32
    %dma_start3A_89 = arith.constant 0 : i32
    %dma_start3A_90 = tpu.memref_slice %arg7[%add3A_88, %dma_start3A_89] : memref<16384x128xf32, #tpu.memory_space<hbm>> -> memref<128x128xf32, #tpu.memory_space<hbm>>
    %dma_start3A_91 = arith.constant 0 : i32
    %dma_start3A_92 = tpu.memref_slice %arg7[%add3A_88, %dma_start3A_91] : memref<16384x128xf32, #tpu.memory_space<hbm>> -> memref<128x128xf32, #tpu.memory_space<hbm>>
    tpu.enqueue_dma source(%arg12 : memref<128x128xf32, #tpu.memory_space<vmem>>) target(%dma_start3A_92 : memref<128x128xf32, #tpu.memory_space<hbm>>) target_semaphore(%arg22 : memref<!tpu.dma_semaphore, #tpu.memory_space<semaphore_mem>>)
    %add3A_93 = arith.constant 128 : i32
    %add3A_94 = arith.addi %mul3A_2, %add3A_93 : i32
    %dma_start3A_95 = arith.constant 0 : i32
    %dma_start3A_96 = tpu.memref_slice %arg8[%add3A_94, %dma_start3A_95] : memref<16384x128xf32, #tpu.memory_space<hbm>> -> memref<128x128xf32, #tpu.memory_space<hbm>>
    %dma_start3A_97 = arith.constant 0 : i32
    %dma_start3A_98 = tpu.memref_slice %arg8[%add3A_94, %dma_start3A_97] : memref<16384x128xf32, #tpu.memory_space<hbm>> -> memref<128x128xf32, #tpu.memory_space<hbm>>
    tpu.enqueue_dma source(%arg15 : memref<128x128xf32, #tpu.memory_space<vmem>>) target(%dma_start3A_98 : memref<128x128xf32, #tpu.memory_space<hbm>>) target_semaphore(%arg22 : memref<!tpu.dma_semaphore, #tpu.memory_space<semaphore_mem>>)
    %scan3A_99 = arith.constant 0 : i32
    %scan3A_100 = arith.constant 0 : i32
    %scan3A_101 = arith.constant 8 : i32
    %scan3A_102 = arith.addi %scan3A_100, %scan3A_101 : i32
    %scan3A_103 = arith.constant 1 : i32
    %scan3A_104 = scf.for %scan3A_188 = %scan3A_100 to %scan3A_102 step %scan3A_103 iter_args(%scan3A_189 = %scan3A_99) -> (i32)  : i32 {
      %mul3A_190 = arith.constant 16 : i32
      %mul3A_191 = arith.muli %scan3A_188, %mul3A_190 : i32
      %broadcast_in_dim3A = arith.constant 0.000000e+00 : f32
      %broadcast_in_dim3A_192 = vector.broadcast %broadcast_in_dim3A : f32 to vector<16xf32>
      %scan3A_193 = arith.constant 0 : i32
      %scan3A_194 = arith.constant 16 : i32
      %scan3A_195 = arith.addi %scan3A_193, %scan3A_194 : i32
      %scan3A_196 = arith.constant 2 : i32
      %scan3A_197 = scf.for %scan3A_203 = %scan3A_193 to %scan3A_195 step %scan3A_196 iter_args(%scan3A_204 = %broadcast_in_dim3A_192) -> (vector<16xf32>)  : i32 {
        %add3A_205 = arith.addi %mul3A_191, %scan3A_203 : i32
        %add3A_206 = arith.addi %mul3A_191, %scan3A_203 : i32
        %get3A = arith.constant 0 : i32
        %get3A_207 = tpu.memref_slice %arg12[%add3A_205, %get3A] : memref<128x128xf32, #tpu.memory_space<vmem>> -> memref<1x128xf32, #tpu.memory_space<vmem>>
        %get3A_208 = tpu.memref_squeeze %get3A_207 : memref<1x128xf32, #tpu.memory_space<vmem>> -> memref<128xf32, #tpu.memory_space<vmem>>
        %get3A_209 = arith.constant 0 : index
        %get3A_210 = tpu.vector_load %get3A_208[%get3A_209] {strides = array<i32>} : memref<128xf32, #tpu.memory_space<vmem>>, vector<16xf32>,
        %get3A_211 = arith.constant 0 : i32
        %get3A_212 = tpu.memref_slice %arg15[%add3A_206, %get3A_211] : memref<128x128xf32, #tpu.memory_space<vmem>> -> memref<1x128xf32, #tpu.memory_space<vmem>>
        %get3A_213 = tpu.memref_squeeze %get3A_212 : memref<1x128xf32, #tpu.memory_space<vmem>> -> memref<128xf32, #tpu.memory_space<vmem>>
        %get3A_214 = arith.constant 0 : index
        %get3A_215 = tpu.vector_load %get3A_213[%get3A_214] {strides = array<i32>} : memref<128xf32, #tpu.memory_space<vmem>>, vector<16xf32>,
        %mul3A_216 = arith.mulf %get3A_210, %get3A_215 : vector<16xf32>
        %get3A_217 = arith.constant 0 : i32
        %get3A_218 = tpu.memref_slice %arg12[%add3A_205, %get3A_217] : memref<128x128xf32, #tpu.memory_space<vmem>> -> memref<1x128xf32, #tpu.memory_space<vmem>>
        %get3A_219 = tpu.memref_squeeze %get3A_218 : memref<1x128xf32, #tpu.memory_space<vmem>> -> memref<128xf32, #tpu.memory_space<vmem>>
        %get3A_220 = arith.constant 16 : index
        %get3A_221 = tpu.vector_load %get3A_219[%get3A_220] {strides = array<i32>} : memref<128xf32, #tpu.memory_space<vmem>>, vector<16xf32>,
        %get3A_222 = arith.constant 0 : i32
        %get3A_223 = tpu.memref_slice %arg15[%add3A_206, %get3A_222] : memref<128x128xf32, #tpu.memory_space<vmem>> -> memref<1x128xf32, #tpu.memory_space<vmem>>
        %get3A_224 = tpu.memref_squeeze %get3A_223 : memref<1x128xf32, #tpu.memory_space<vmem>> -> memref<128xf32, #tpu.memory_space<vmem>>
        %get3A_225 = arith.constant 16 : index
        %get3A_226 = tpu.vector_load %get3A_224[%get3A_225] {strides = array<i32>} : memref<128xf32, #tpu.memory_space<vmem>>, vector<16xf32>,
        %mul3A_227 = arith.mulf %get3A_221, %get3A_226 : vector<16xf32>
        %add3A_228 = arith.addf %mul3A_216, %mul3A_227 : vector<16xf32>
        %get3A_229 = arith.constant 0 : i32
        %get3A_230 = tpu.memref_slice %arg12[%add3A_205, %get3A_229] : memref<128x128xf32, #tpu.memory_space<vmem>> -> memref<1x128xf32, #tpu.memory_space<vmem>>
        %get3A_231 = tpu.memref_squeeze %get3A_230 : memref<1x128xf32, #tpu.memory_space<vmem>> -> memref<128xf32, #tpu.memory_space<vmem>>
        %get3A_232 = arith.constant 32 : index
        %get3A_233 = tpu.vector_load %get3A_231[%get3A_232] {strides = array<i32>} : memref<128xf32, #tpu.memory_space<vmem>>, vector<16xf32>,
        %get3A_234 = arith.constant 0 : i32
        %get3A_235 = tpu.memref_slice %arg15[%add3A_206, %get3A_234] : memref<128x128xf32, #tpu.memory_space<vmem>> -> memref<1x128xf32, #tpu.memory_space<vmem>>
        %get3A_236 = tpu.memref_squeeze %get3A_235 : memref<1x128xf32, #tpu.memory_space<vmem>> -> memref<128xf32, #tpu.memory_space<vmem>>
        %get3A_237 = arith.constant 32 : index
        %get3A_238 = tpu.vector_load %get3A_236[%get3A_237] {strides = array<i32>} : memref<128xf32, #tpu.memory_space<vmem>>, vector<16xf32>,
        %mul3A_239 = arith.mulf %get3A_233, %get3A_238 : vector<16xf32>
        %add3A_240 = arith.addf %add3A_228, %mul3A_239 : vector<16xf32>
        %get3A_241 = arith.constant 0 : i32
        %get3A_242 = tpu.memref_slice %arg12[%add3A_205, %get3A_241] : memref<128x128xf32, #tpu.memory_space<vmem>> -> memref<1x128xf32, #tpu.memory_space<vmem>>
        %get3A_243 = tpu.memref_squeeze %get3A_242 : memref<1x128xf32, #tpu.memory_space<vmem>> -> memref<128xf32, #tpu.memory_space<vmem>>
        %get3A_244 = arith.constant 48 : index
        %get3A_245 = tpu.vector_load %get3A_243[%get3A_244] {strides = array<i32>} : memref<128xf32, #tpu.memory_space<vmem>>, vector<16xf32>,
        %get3A_246 = arith.constant 0 : i32
        %get3A_247 = tpu.memref_slice %arg15[%add3A_206, %get3A_246] : memref<128x128xf32, #tpu.memory_space<vmem>> -> memref<1x128xf32, #tpu.memory_space<vmem>>
        %get3A_248 = tpu.memref_squeeze %get3A_247 : memref<1x128xf32, #tpu.memory_space<vmem>> -> memref<128xf32, #tpu.memory_space<vmem>>
        %get3A_249 = arith.constant 48 : index
        %get3A_250 = tpu.vector_load %get3A_248[%get3A_249] {strides = array<i32>} : memref<128xf32, #tpu.memory_space<vmem>>, vector<16xf32>,
        %mul3A_251 = arith.mulf %get3A_245, %get3A_250 : vector<16xf32>
        %add3A_252 = arith.addf %add3A_240, %mul3A_251 : vector<16xf32>
        %get3A_253 = arith.constant 0 : i32
        %get3A_254 = tpu.memref_slice %arg12[%add3A_205, %get3A_253] : memref<128x128xf32, #tpu.memory_space<vmem>> -> memref<1x128xf32, #tpu.memory_space<vmem>>
        %get3A_255 = tpu.memref_squeeze %get3A_254 : memref<1x128xf32, #tpu.memory_space<vmem>> -> memref<128xf32, #tpu.memory_space<vmem>>
        %get3A_256 = arith.constant 64 : index
        %get3A_257 = tpu.vector_load %get3A_255[%get3A_256] {strides = array<i32>} : memref<128xf32, #tpu.memory_space<vmem>>, vector<16xf32>,
        %get3A_258 = arith.constant 0 : i32
        %get3A_259 = tpu.memref_slice %arg15[%add3A_206, %get3A_258] : memref<128x128xf32, #tpu.memory_space<vmem>> -> memref<1x128xf32, #tpu.memory_space<vmem>>
        %get3A_260 = tpu.memref_squeeze %get3A_259 : memref<1x128xf32, #tpu.memory_space<vmem>> -> memref<128xf32, #tpu.memory_space<vmem>>
        %get3A_261 = arith.constant 64 : index
        %get3A_262 = tpu.vector_load %get3A_260[%get3A_261] {strides = array<i32>} : memref<128xf32, #tpu.memory_space<vmem>>, vector<16xf32>,
        %mul3A_263 = arith.mulf %get3A_257, %get3A_262 : vector<16xf32>
        %add3A_264 = arith.addf %add3A_252, %mul3A_263 : vector<16xf32>
        %get3A_265 = arith.constant 0 : i32
        %get3A_266 = tpu.memref_slice %arg12[%add3A_205, %get3A_265] : memref<128x128xf32, #tpu.memory_space<vmem>> -> memref<1x128xf32, #tpu.memory_space<vmem>>
        %get3A_267 = tpu.memref_squeeze %get3A_266 : memref<1x128xf32, #tpu.memory_space<vmem>> -> memref<128xf32, #tpu.memory_space<vmem>>
        %get3A_268 = arith.constant 80 : index
        %get3A_269 = tpu.vector_load %get3A_267[%get3A_268] {strides = array<i32>} : memref<128xf32, #tpu.memory_space<vmem>>, vector<16xf32>,
        %get3A_270 = arith.constant 0 : i32
        %get3A_271 = tpu.memref_slice %arg15[%add3A_206, %get3A_270] : memref<128x128xf32, #tpu.memory_space<vmem>> -> memref<1x128xf32, #tpu.memory_space<vmem>>
        %get3A_272 = tpu.memref_squeeze %get3A_271 : memref<1x128xf32, #tpu.memory_space<vmem>> -> memref<128xf32, #tpu.memory_space<vmem>>
        %get3A_273 = arith.constant 80 : index
        %get3A_274 = tpu.vector_load %get3A_272[%get3A_273] {strides = array<i32>} : memref<128xf32, #tpu.memory_space<vmem>>, vector<16xf32>,
        %mul3A_275 = arith.mulf %get3A_269, %get3A_274 : vector<16xf32>
        %add3A_276 = arith.addf %add3A_264, %mul3A_275 : vector<16xf32>
        %get3A_277 = arith.constant 0 : i32
        %get3A_278 = tpu.memref_slice %arg12[%add3A_205, %get3A_277] : memref<128x128xf32, #tpu.memory_space<vmem>> -> memref<1x128xf32, #tpu.memory_space<vmem>>
        %get3A_279 = tpu.memref_squeeze %get3A_278 : memref<1x128xf32, #tpu.memory_space<vmem>> -> memref<128xf32, #tpu.memory_space<vmem>>
        %get3A_280 = arith.constant 96 : index
        %get3A_281 = tpu.vector_load %get3A_279[%get3A_280] {strides = array<i32>} : memref<128xf32, #tpu.memory_space<vmem>>, vector<16xf32>,
        %get3A_282 = arith.constant 0 : i32
        %get3A_283 = tpu.memref_slice %arg15[%add3A_206, %get3A_282] : memref<128x128xf32, #tpu.memory_space<vmem>> -> memref<1x128xf32, #tpu.memory_space<vmem>>
        %get3A_284 = tpu.memref_squeeze %get3A_283 : memref<1x128xf32, #tpu.memory_space<vmem>> -> memref<128xf32, #tpu.memory_space<vmem>>
        %get3A_285 = arith.constant 96 : index
        %get3A_286 = tpu.vector_load %get3A_284[%get3A_285] {strides = array<i32>} : memref<128xf32, #tpu.memory_space<vmem>>, vector<16xf32>,
        %mul3A_287 = arith.mulf %get3A_281, %get3A_286 : vector<16xf32>
        %add3A_288 = arith.addf %add3A_276, %mul3A_287 : vector<16xf32>
        %get3A_289 = arith.constant 0 : i32
        %get3A_290 = tpu.memref_slice %arg12[%add3A_205, %get3A_289] : memref<128x128xf32, #tpu.memory_space<vmem>> -> memref<1x128xf32, #tpu.memory_space<vmem>>
        %get3A_291 = tpu.memref_squeeze %get3A_290 : memref<1x128xf32, #tpu.memory_space<vmem>> -> memref<128xf32, #tpu.memory_space<vmem>>
        %get3A_292 = arith.constant 112 : index
        %get3A_293 = tpu.vector_load %get3A_291[%get3A_292] {strides = array<i32>} : memref<128xf32, #tpu.memory_space<vmem>>, vector<16xf32>,
        %get3A_294 = arith.constant 0 : i32
        %get3A_295 = tpu.memref_slice %arg15[%add3A_206, %get3A_294] : memref<128x128xf32, #tpu.memory_space<vmem>> -> memref<1x128xf32, #tpu.memory_space<vmem>>
        %get3A_296 = tpu.memref_squeeze %get3A_295 : memref<1x128xf32, #tpu.memory_space<vmem>> -> memref<128xf32, #tpu.memory_space<vmem>>
        %get3A_297 = arith.constant 112 : index
        %get3A_298 = tpu.vector_load %get3A_296[%get3A_297] {strides = array<i32>} : memref<128xf32, #tpu.memory_space<vmem>>, vector<16xf32>,
        %mul3A_299 = arith.mulf %get3A_293, %get3A_298 : vector<16xf32>
        %add3A_300 = arith.addf %add3A_288, %mul3A_299 : vector<16xf32>
        %eq3A = vector.broadcast %scan3A_203 : i32 to vector<16xi32>
        %eq3A_301 = arith.cmpi eq, %iota3A, %eq3A : vector<16xi32>
        %reduce_sum3A = arith.constant true
        %reduce_sum3A_302 = vector.broadcast %reduce_sum3A : i1 to vector<16xi1>
        %reduce_sum3A_303 = tpu.scan <sum>, %add3A_300 masked %reduce_sum3A_302 : vector<16xf32>, vector<16xi1> -> vector<16xf32>
        %reduce_sum3A_304 = vector.extract %reduce_sum3A_303[15] : f32 from vector<16xf32>
        %jit3A = arith.constant 0.000000e+00 : f32
        %broadcast_in_dim3A_305 = vector.broadcast %reduce_sum3A_304 : f32 to vector<16xf32>
        %broadcast_in_dim3A_306 = vector.broadcast %jit3A : f32 to vector<16xf32>
        %select_n3A = arith.select %eq3A_301, %broadcast_in_dim3A_305, %broadcast_in_dim3A_306 : vector<16xi1>, vector<16xf32>
        %add3A_307 = arith.addf %scan3A_204, %select_n3A : vector<16xf32>
        %scan3A_308 = arith.constant 1 : i32
        %scan3A_309 = arith.addi %scan3A_203, %scan3A_308 : i32
        %add3A_310 = arith.addi %mul3A_191, %scan3A_309 : i32
        %add3A_311 = arith.addi %mul3A_191, %scan3A_309 : i32
        %get3A_312 = arith.constant 0 : i32
        %get3A_313 = tpu.memref_slice %arg12[%add3A_310, %get3A_312] : memref<128x128xf32, #tpu.memory_space<vmem>> -> memref<1x128xf32, #tpu.memory_space<vmem>>
        %get3A_314 = tpu.memref_squeeze %get3A_313 : memref<1x128xf32, #tpu.memory_space<vmem>> -> memref<128xf32, #tpu.memory_space<vmem>>
        %get3A_315 = arith.constant 0 : index
        %get3A_316 = tpu.vector_load %get3A_314[%get3A_315] {strides = array<i32>} : memref<128xf32, #tpu.memory_space<vmem>>, vector<16xf32>,
        %get3A_317 = arith.constant 0 : i32
        %get3A_318 = tpu.memref_slice %arg15[%add3A_311, %get3A_317] : memref<128x128xf32, #tpu.memory_space<vmem>> -> memref<1x128xf32, #tpu.memory_space<vmem>>
        %get3A_319 = tpu.memref_squeeze %get3A_318 : memref<1x128xf32, #tpu.memory_space<vmem>> -> memref<128xf32, #tpu.memory_space<vmem>>
        %get3A_320 = arith.constant 0 : index
        %get3A_321 = tpu.vector_load %get3A_319[%get3A_320] {strides = array<i32>} : memref<128xf32, #tpu.memory_space<vmem>>, vector<16xf32>,
        %mul3A_322 = arith.mulf %get3A_316, %get3A_321 : vector<16xf32>
        %get3A_323 = arith.constant 0 : i32
        %get3A_324 = tpu.memref_slice %arg12[%add3A_310, %get3A_323] : memref<128x128xf32, #tpu.memory_space<vmem>> -> memref<1x128xf32, #tpu.memory_space<vmem>>
        %get3A_325 = tpu.memref_squeeze %get3A_324 : memref<1x128xf32, #tpu.memory_space<vmem>> -> memref<128xf32, #tpu.memory_space<vmem>>
        %get3A_326 = arith.constant 16 : index
        %get3A_327 = tpu.vector_load %get3A_325[%get3A_326] {strides = array<i32>} : memref<128xf32, #tpu.memory_space<vmem>>, vector<16xf32>,
        %get3A_328 = arith.constant 0 : i32
        %get3A_329 = tpu.memref_slice %arg15[%add3A_311, %get3A_328] : memref<128x128xf32, #tpu.memory_space<vmem>> -> memref<1x128xf32, #tpu.memory_space<vmem>>
        %get3A_330 = tpu.memref_squeeze %get3A_329 : memref<1x128xf32, #tpu.memory_space<vmem>> -> memref<128xf32, #tpu.memory_space<vmem>>
        %get3A_331 = arith.constant 16 : index
        %get3A_332 = tpu.vector_load %get3A_330[%get3A_331] {strides = array<i32>} : memref<128xf32, #tpu.memory_space<vmem>>, vector<16xf32>,
        %mul3A_333 = arith.mulf %get3A_327, %get3A_332 : vector<16xf32>
        %add3A_334 = arith.addf %mul3A_322, %mul3A_333 : vector<16xf32>
        %get3A_335 = arith.constant 0 : i32
        %get3A_336 = tpu.memref_slice %arg12[%add3A_310, %get3A_335] : memref<128x128xf32, #tpu.memory_space<vmem>> -> memref<1x128xf32, #tpu.memory_space<vmem>>
        %get3A_337 = tpu.memref_squeeze %get3A_336 : memref<1x128xf32, #tpu.memory_space<vmem>> -> memref<128xf32, #tpu.memory_space<vmem>>
        %get3A_338 = arith.constant 32 : index
        %get3A_339 = tpu.vector_load %get3A_337[%get3A_338] {strides = array<i32>} : memref<128xf32, #tpu.memory_space<vmem>>, vector<16xf32>,
        %get3A_340 = arith.constant 0 : i32
        %get3A_341 = tpu.memref_slice %arg15[%add3A_311, %get3A_340] : memref<128x128xf32, #tpu.memory_space<vmem>> -> memref<1x128xf32, #tpu.memory_space<vmem>>
        %get3A_342 = tpu.memref_squeeze %get3A_341 : memref<1x128xf32, #tpu.memory_space<vmem>> -> memref<128xf32, #tpu.memory_space<vmem>>
        %get3A_343 = arith.constant 32 : index
        %get3A_344 = tpu.vector_load %get3A_342[%get3A_343] {strides = array<i32>} : memref<128xf32, #tpu.memory_space<vmem>>, vector<16xf32>,
        %mul3A_345 = arith.mulf %get3A_339, %get3A_344 : vector<16xf32>
        %add3A_346 = arith.addf %add3A_334, %mul3A_345 : vector<16xf32>
        %get3A_347 = arith.constant 0 : i32
        %get3A_348 = tpu.memref_slice %arg12[%add3A_310, %get3A_347] : memref<128x128xf32, #tpu.memory_space<vmem>> -> memref<1x128xf32, #tpu.memory_space<vmem>>
        %get3A_349 = tpu.memref_squeeze %get3A_348 : memref<1x128xf32, #tpu.memory_space<vmem>> -> memref<128xf32, #tpu.memory_space<vmem>>
        %get3A_350 = arith.constant 48 : index
        %get3A_351 = tpu.vector_load %get3A_349[%get3A_350] {strides = array<i32>} : memref<128xf32, #tpu.memory_space<vmem>>, vector<16xf32>,
        %get3A_352 = arith.constant 0 : i32
        %get3A_353 = tpu.memref_slice %arg15[%add3A_311, %get3A_352] : memref<128x128xf32, #tpu.memory_space<vmem>> -> memref<1x128xf32, #tpu.memory_space<vmem>>
        %get3A_354 = tpu.memref_squeeze %get3A_353 : memref<1x128xf32, #tpu.memory_space<vmem>> -> memref<128xf32, #tpu.memory_space<vmem>>
        %get3A_355 = arith.constant 48 : index
        %get3A_356 = tpu.vector_load %get3A_354[%get3A_355] {strides = array<i32>} : memref<128xf32, #tpu.memory_space<vmem>>, vector<16xf32>,
        %mul3A_357 = arith.mulf %get3A_351, %get3A_356 : vector<16xf32>
        %add3A_358 = arith.addf %add3A_346, %mul3A_357 : vector<16xf32>
        %get3A_359 = arith.constant 0 : i32
        %get3A_360 = tpu.memref_slice %arg12[%add3A_310, %get3A_359] : memref<128x128xf32, #tpu.memory_space<vmem>> -> memref<1x128xf32, #tpu.memory_space<vmem>>
        %get3A_361 = tpu.memref_squeeze %get3A_360 : memref<1x128xf32, #tpu.memory_space<vmem>> -> memref<128xf32, #tpu.memory_space<vmem>>
        %get3A_362 = arith.constant 64 : index
        %get3A_363 = tpu.vector_load %get3A_361[%get3A_362] {strides = array<i32>} : memref<128xf32, #tpu.memory_space<vmem>>, vector<16xf32>,
        %get3A_364 = arith.constant 0 : i32
        %get3A_365 = tpu.memref_slice %arg15[%add3A_311, %get3A_364] : memref<128x128xf32, #tpu.memory_space<vmem>> -> memref<1x128xf32, #tpu.memory_space<vmem>>
        %get3A_366 = tpu.memref_squeeze %get3A_365 : memref<1x128xf32, #tpu.memory_space<vmem>> -> memref<128xf32, #tpu.memory_space<vmem>>
        %get3A_367 = arith.constant 64 : index
        %get3A_368 = tpu.vector_load %get3A_366[%get3A_367] {strides = array<i32>} : memref<128xf32, #tpu.memory_space<vmem>>, vector<16xf32>,
        %mul3A_369 = arith.mulf %get3A_363, %get3A_368 : vector<16xf32>
        %add3A_370 = arith.addf %add3A_358, %mul3A_369 : vector<16xf32>
        %get3A_371 = arith.constant 0 : i32
        %get3A_372 = tpu.memref_slice %arg12[%add3A_310, %get3A_371] : memref<128x128xf32, #tpu.memory_space<vmem>> -> memref<1x128xf32, #tpu.memory_space<vmem>>
        %get3A_373 = tpu.memref_squeeze %get3A_372 : memref<1x128xf32, #tpu.memory_space<vmem>> -> memref<128xf32, #tpu.memory_space<vmem>>
        %get3A_374 = arith.constant 80 : index
        %get3A_375 = tpu.vector_load %get3A_373[%get3A_374] {strides = array<i32>} : memref<128xf32, #tpu.memory_space<vmem>>, vector<16xf32>,
        %get3A_376 = arith.constant 0 : i32
        %get3A_377 = tpu.memref_slice %arg15[%add3A_311, %get3A_376] : memref<128x128xf32, #tpu.memory_space<vmem>> -> memref<1x128xf32, #tpu.memory_space<vmem>>
        %get3A_378 = tpu.memref_squeeze %get3A_377 : memref<1x128xf32, #tpu.memory_space<vmem>> -> memref<128xf32, #tpu.memory_space<vmem>>
        %get3A_379 = arith.constant 80 : index
        %get3A_380 = tpu.vector_load %get3A_378[%get3A_379] {strides = array<i32>} : memref<128xf32, #tpu.memory_space<vmem>>, vector<16xf32>,
        %mul3A_381 = arith.mulf %get3A_375, %get3A_380 : vector<16xf32>
        %add3A_382 = arith.addf %add3A_370, %mul3A_381 : vector<16xf32>
        %get3A_383 = arith.constant 0 : i32
        %get3A_384 = tpu.memref_slice %arg12[%add3A_310, %get3A_383] : memref<128x128xf32, #tpu.memory_space<vmem>> -> memref<1x128xf32, #tpu.memory_space<vmem>>
        %get3A_385 = tpu.memref_squeeze %get3A_384 : memref<1x128xf32, #tpu.memory_space<vmem>> -> memref<128xf32, #tpu.memory_space<vmem>>
        %get3A_386 = arith.constant 96 : index
        %get3A_387 = tpu.vector_load %get3A_385[%get3A_386] {strides = array<i32>} : memref<128xf32, #tpu.memory_space<vmem>>, vector<16xf32>,
        %get3A_388 = arith.constant 0 : i32
        %get3A_389 = tpu.memref_slice %arg15[%add3A_311, %get3A_388] : memref<128x128xf32, #tpu.memory_space<vmem>> -> memref<1x128xf32, #tpu.memory_space<vmem>>
        %get3A_390 = tpu.memref_squeeze %get3A_389 : memref<1x128xf32, #tpu.memory_space<vmem>> -> memref<128xf32, #tpu.memory_space<vmem>>
        %get3A_391 = arith.constant 96 : index
        %get3A_392 = tpu.vector_load %get3A_390[%get3A_391] {strides = array<i32>} : memref<128xf32, #tpu.memory_space<vmem>>, vector<16xf32>,
        %mul3A_393 = arith.mulf %get3A_387, %get3A_392 : vector<16xf32>
        %add3A_394 = arith.addf %add3A_382, %mul3A_393 : vector<16xf32>
        %get3A_395 = arith.constant 0 : i32
        %get3A_396 = tpu.memref_slice %arg12[%add3A_310, %get3A_395] : memref<128x128xf32, #tpu.memory_space<vmem>> -> memref<1x128xf32, #tpu.memory_space<vmem>>
        %get3A_397 = tpu.memref_squeeze %get3A_396 : memref<1x128xf32, #tpu.memory_space<vmem>> -> memref<128xf32, #tpu.memory_space<vmem>>
        %get3A_398 = arith.constant 112 : index
        %get3A_399 = tpu.vector_load %get3A_397[%get3A_398] {strides = array<i32>} : memref<128xf32, #tpu.memory_space<vmem>>, vector<16xf32>,
        %get3A_400 = arith.constant 0 : i32
        %get3A_401 = tpu.memref_slice %arg15[%add3A_311, %get3A_400] : memref<128x128xf32, #tpu.memory_space<vmem>> -> memref<1x128xf32, #tpu.memory_space<vmem>>
        %get3A_402 = tpu.memref_squeeze %get3A_401 : memref<1x128xf32, #tpu.memory_space<vmem>> -> memref<128xf32, #tpu.memory_space<vmem>>
        %get3A_403 = arith.constant 112 : index
        %get3A_404 = tpu.vector_load %get3A_402[%get3A_403] {strides = array<i32>} : memref<128xf32, #tpu.memory_space<vmem>>, vector<16xf32>,
        %mul3A_405 = arith.mulf %get3A_399, %get3A_404 : vector<16xf32>
        %add3A_406 = arith.addf %add3A_394, %mul3A_405 : vector<16xf32>
        %eq3A_407 = vector.broadcast %scan3A_309 : i32 to vector<16xi32>
        %eq3A_408 = arith.cmpi eq, %iota3A, %eq3A_407 : vector<16xi32>
        %reduce_sum3A_409 = arith.constant true
        %reduce_sum3A_410 = vector.broadcast %reduce_sum3A_409 : i1 to vector<16xi1>
        %reduce_sum3A_411 = tpu.scan <sum>, %add3A_406 masked %reduce_sum3A_410 : vector<16xf32>, vector<16xi1> -> vector<16xf32>
        %reduce_sum3A_412 = vector.extract %reduce_sum3A_411[15] : f32 from vector<16xf32>
        %jit3A_413 = arith.constant 0.000000e+00 : f32
        %broadcast_in_dim3A_414 = vector.broadcast %reduce_sum3A_412 : f32 to vector<16xf32>
        %broadcast_in_dim3A_415 = vector.broadcast %jit3A_413 : f32 to vector<16xf32>
        %select_n3A_416 = arith.select %eq3A_408, %broadcast_in_dim3A_414, %broadcast_in_dim3A_415 : vector<16xi1>, vector<16xf32>
        %add3A_417 = arith.addf %add3A_307, %select_n3A_416 : vector<16xf32>
        scf.yield %add3A_417 : vector<16xf32>
      }
      %scan3A_198 = arith.constant 16 : i32
      %add3A_199 = arith.constant 128 : i32
      %add3A_200 = arith.addi %add3A_199, %mul3A_191 : i32
      %swap3A = arith.index_cast %add3A_200 : i32 to index
      %swap3A_201 = tpu.vector_load %arg17[%swap3A] {strides = array<i32>} : memref<512xf32, #tpu.memory_space<vmem>>, vector<16xf32>,
      tpu.vector_store %arg17[%swap3A], %scan3A_197 {strides = array<i32>} : memref<512xf32, #tpu.memory_space<vmem>>, vector<16xf32>,
      %scan3A_202 = arith.constant 0 : i32
      scf.yield %scan3A_202 : i32
    }
    %scan3A_105 = arith.constant 8 : i32
    %dma_wait3A_106 = arith.constant 256 : i32
    %dma_wait3A_107 = tpu.memref_slice %arg9[%dma_wait3A_106] : memref<512xi32, #tpu.memory_space<vmem>> -> memref<128xi32, #tpu.memory_space<vmem>>
    %dma_wait3A_108 = arith.constant 0 : i32
    %dma_wait3A_109 = arith.constant 0 : i32
    %dma_wait3A_110 = tpu.memref_slice %arg4[%dma_wait3A_108, %dma_wait3A_109] : memref<1000000x128xf32, #tpu.memory_space<hbm>> -> memref<1000000x128xf32, #tpu.memory_space<hbm>>
    tpu.wait_indirect_dma semaphore(%arg20 : memref<!tpu.dma_semaphore, #tpu.memory_space<semaphore_mem>>) src(%dma_wait3A_110 : memref<1000000x128xf32, #tpu.memory_space<hbm>>) dst(%arg13 : memref<128x128xf32, #tpu.memory_space<vmem>>)
    %dma_wait3A_111 = arith.constant 256 : i32
    %dma_wait3A_112 = tpu.memref_slice %arg10[%dma_wait3A_111] : memref<512xi32, #tpu.memory_space<vmem>> -> memref<128xi32, #tpu.memory_space<vmem>>
    %dma_wait3A_113 = arith.constant 0 : i32
    %dma_wait3A_114 = arith.constant 0 : i32
    %dma_wait3A_115 = tpu.memref_slice %arg5[%dma_wait3A_113, %dma_wait3A_114] : memref<1000000x128xf32, #tpu.memory_space<hbm>> -> memref<1000000x128xf32, #tpu.memory_space<hbm>>
    tpu.wait_indirect_dma semaphore(%arg20 : memref<!tpu.dma_semaphore, #tpu.memory_space<semaphore_mem>>) src(%dma_wait3A_115 : memref<1000000x128xf32, #tpu.memory_space<hbm>>) dst(%arg16 : memref<128x128xf32, #tpu.memory_space<vmem>>)
    %add3A_116 = arith.constant 256 : i32
    %add3A_117 = arith.addi %mul3A_2, %add3A_116 : i32
    %dma_start3A_118 = arith.constant 0 : i32
    %dma_start3A_119 = tpu.memref_slice %arg7[%add3A_117, %dma_start3A_118] : memref<16384x128xf32, #tpu.memory_space<hbm>> -> memref<128x128xf32, #tpu.memory_space<hbm>>
    %dma_start3A_120 = arith.constant 0 : i32
    %dma_start3A_121 = tpu.memref_slice %arg7[%add3A_117, %dma_start3A_120] : memref<16384x128xf32, #tpu.memory_space<hbm>> -> memref<128x128xf32, #tpu.memory_space<hbm>>
    tpu.enqueue_dma source(%arg13 : memref<128x128xf32, #tpu.memory_space<vmem>>) target(%dma_start3A_121 : memref<128x128xf32, #tpu.memory_space<hbm>>) target_semaphore(%arg23 : memref<!tpu.dma_semaphore, #tpu.memory_space<semaphore_mem>>)
    %add3A_122 = arith.constant 256 : i32
    %add3A_123 = arith.addi %mul3A_2, %add3A_122 : i32
    %dma_start3A_124 = arith.constant 0 : i32
    %dma_start3A_125 = tpu.memref_slice %arg8[%add3A_123, %dma_start3A_124] : memref<16384x128xf32, #tpu.memory_space<hbm>> -> memref<128x128xf32, #tpu.memory_space<hbm>>
    %dma_start3A_126 = arith.constant 0 : i32
    %dma_start3A_127 = tpu.memref_slice %arg8[%add3A_123, %dma_start3A_126] : memref<16384x128xf32, #tpu.memory_space<hbm>> -> memref<128x128xf32, #tpu.memory_space<hbm>>
    tpu.enqueue_dma source(%arg16 : memref<128x128xf32, #tpu.memory_space<vmem>>) target(%dma_start3A_127 : memref<128x128xf32, #tpu.memory_space<hbm>>) target_semaphore(%arg23 : memref<!tpu.dma_semaphore, #tpu.memory_space<semaphore_mem>>)
    %scan3A_128 = arith.constant 0 : i32
    %scan3A_129 = arith.constant 0 : i32
    %scan3A_130 = arith.constant 8 : i32
    %scan3A_131 = arith.addi %scan3A_129, %scan3A_130 : i32
    %scan3A_132 = arith.constant 1 : i32
    %scan3A_133 = scf.for %scan3A_188 = %scan3A_129 to %scan3A_131 step %scan3A_132 iter_args(%scan3A_189 = %scan3A_128) -> (i32)  : i32 {
      %mul3A_190 = arith.constant 16 : i32
      %mul3A_191 = arith.muli %scan3A_188, %mul3A_190 : i32
      %broadcast_in_dim3A = arith.constant 0.000000e+00 : f32
      %broadcast_in_dim3A_192 = vector.broadcast %broadcast_in_dim3A : f32 to vector<16xf32>
      %scan3A_193 = arith.constant 0 : i32
      %scan3A_194 = arith.constant 16 : i32
      %scan3A_195 = arith.addi %scan3A_193, %scan3A_194 : i32
      %scan3A_196 = arith.constant 2 : i32
      %scan3A_197 = scf.for %scan3A_203 = %scan3A_193 to %scan3A_195 step %scan3A_196 iter_args(%scan3A_204 = %broadcast_in_dim3A_192) -> (vector<16xf32>)  : i32 {
        %add3A_205 = arith.addi %mul3A_191, %scan3A_203 : i32
        %add3A_206 = arith.addi %mul3A_191, %scan3A_203 : i32
        %get3A = arith.constant 0 : i32
        %get3A_207 = tpu.memref_slice %arg13[%add3A_205, %get3A] : memref<128x128xf32, #tpu.memory_space<vmem>> -> memref<1x128xf32, #tpu.memory_space<vmem>>
        %get3A_208 = tpu.memref_squeeze %get3A_207 : memref<1x128xf32, #tpu.memory_space<vmem>> -> memref<128xf32, #tpu.memory_space<vmem>>
        %get3A_209 = arith.constant 0 : index
        %get3A_210 = tpu.vector_load %get3A_208[%get3A_209] {strides = array<i32>} : memref<128xf32, #tpu.memory_space<vmem>>, vector<16xf32>,
        %get3A_211 = arith.constant 0 : i32
        %get3A_212 = tpu.memref_slice %arg16[%add3A_206, %get3A_211] : memref<128x128xf32, #tpu.memory_space<vmem>> -> memref<1x128xf32, #tpu.memory_space<vmem>>
        %get3A_213 = tpu.memref_squeeze %get3A_212 : memref<1x128xf32, #tpu.memory_space<vmem>> -> memref<128xf32, #tpu.memory_space<vmem>>
        %get3A_214 = arith.constant 0 : index
        %get3A_215 = tpu.vector_load %get3A_213[%get3A_214] {strides = array<i32>} : memref<128xf32, #tpu.memory_space<vmem>>, vector<16xf32>,
        %mul3A_216 = arith.mulf %get3A_210, %get3A_215 : vector<16xf32>
        %get3A_217 = arith.constant 0 : i32
        %get3A_218 = tpu.memref_slice %arg13[%add3A_205, %get3A_217] : memref<128x128xf32, #tpu.memory_space<vmem>> -> memref<1x128xf32, #tpu.memory_space<vmem>>
        %get3A_219 = tpu.memref_squeeze %get3A_218 : memref<1x128xf32, #tpu.memory_space<vmem>> -> memref<128xf32, #tpu.memory_space<vmem>>
        %get3A_220 = arith.constant 16 : index
        %get3A_221 = tpu.vector_load %get3A_219[%get3A_220] {strides = array<i32>} : memref<128xf32, #tpu.memory_space<vmem>>, vector<16xf32>,
        %get3A_222 = arith.constant 0 : i32
        %get3A_223 = tpu.memref_slice %arg16[%add3A_206, %get3A_222] : memref<128x128xf32, #tpu.memory_space<vmem>> -> memref<1x128xf32, #tpu.memory_space<vmem>>
        %get3A_224 = tpu.memref_squeeze %get3A_223 : memref<1x128xf32, #tpu.memory_space<vmem>> -> memref<128xf32, #tpu.memory_space<vmem>>
        %get3A_225 = arith.constant 16 : index
        %get3A_226 = tpu.vector_load %get3A_224[%get3A_225] {strides = array<i32>} : memref<128xf32, #tpu.memory_space<vmem>>, vector<16xf32>,
        %mul3A_227 = arith.mulf %get3A_221, %get3A_226 : vector<16xf32>
        %add3A_228 = arith.addf %mul3A_216, %mul3A_227 : vector<16xf32>
        %get3A_229 = arith.constant 0 : i32
        %get3A_230 = tpu.memref_slice %arg13[%add3A_205, %get3A_229] : memref<128x128xf32, #tpu.memory_space<vmem>> -> memref<1x128xf32, #tpu.memory_space<vmem>>
        %get3A_231 = tpu.memref_squeeze %get3A_230 : memref<1x128xf32, #tpu.memory_space<vmem>> -> memref<128xf32, #tpu.memory_space<vmem>>
        %get3A_232 = arith.constant 32 : index
        %get3A_233 = tpu.vector_load %get3A_231[%get3A_232] {strides = array<i32>} : memref<128xf32, #tpu.memory_space<vmem>>, vector<16xf32>,
        %get3A_234 = arith.constant 0 : i32
        %get3A_235 = tpu.memref_slice %arg16[%add3A_206, %get3A_234] : memref<128x128xf32, #tpu.memory_space<vmem>> -> memref<1x128xf32, #tpu.memory_space<vmem>>
        %get3A_236 = tpu.memref_squeeze %get3A_235 : memref<1x128xf32, #tpu.memory_space<vmem>> -> memref<128xf32, #tpu.memory_space<vmem>>
        %get3A_237 = arith.constant 32 : index
        %get3A_238 = tpu.vector_load %get3A_236[%get3A_237] {strides = array<i32>} : memref<128xf32, #tpu.memory_space<vmem>>, vector<16xf32>,
        %mul3A_239 = arith.mulf %get3A_233, %get3A_238 : vector<16xf32>
        %add3A_240 = arith.addf %add3A_228, %mul3A_239 : vector<16xf32>
        %get3A_241 = arith.constant 0 : i32
        %get3A_242 = tpu.memref_slice %arg13[%add3A_205, %get3A_241] : memref<128x128xf32, #tpu.memory_space<vmem>> -> memref<1x128xf32, #tpu.memory_space<vmem>>
        %get3A_243 = tpu.memref_squeeze %get3A_242 : memref<1x128xf32, #tpu.memory_space<vmem>> -> memref<128xf32, #tpu.memory_space<vmem>>
        %get3A_244 = arith.constant 48 : index
        %get3A_245 = tpu.vector_load %get3A_243[%get3A_244] {strides = array<i32>} : memref<128xf32, #tpu.memory_space<vmem>>, vector<16xf32>,
        %get3A_246 = arith.constant 0 : i32
        %get3A_247 = tpu.memref_slice %arg16[%add3A_206, %get3A_246] : memref<128x128xf32, #tpu.memory_space<vmem>> -> memref<1x128xf32, #tpu.memory_space<vmem>>
        %get3A_248 = tpu.memref_squeeze %get3A_247 : memref<1x128xf32, #tpu.memory_space<vmem>> -> memref<128xf32, #tpu.memory_space<vmem>>
        %get3A_249 = arith.constant 48 : index
        %get3A_250 = tpu.vector_load %get3A_248[%get3A_249] {strides = array<i32>} : memref<128xf32, #tpu.memory_space<vmem>>, vector<16xf32>,
        %mul3A_251 = arith.mulf %get3A_245, %get3A_250 : vector<16xf32>
        %add3A_252 = arith.addf %add3A_240, %mul3A_251 : vector<16xf32>
        %get3A_253 = arith.constant 0 : i32
        %get3A_254 = tpu.memref_slice %arg13[%add3A_205, %get3A_253] : memref<128x128xf32, #tpu.memory_space<vmem>> -> memref<1x128xf32, #tpu.memory_space<vmem>>
        %get3A_255 = tpu.memref_squeeze %get3A_254 : memref<1x128xf32, #tpu.memory_space<vmem>> -> memref<128xf32, #tpu.memory_space<vmem>>
        %get3A_256 = arith.constant 64 : index
        %get3A_257 = tpu.vector_load %get3A_255[%get3A_256] {strides = array<i32>} : memref<128xf32, #tpu.memory_space<vmem>>, vector<16xf32>,
        %get3A_258 = arith.constant 0 : i32
        %get3A_259 = tpu.memref_slice %arg16[%add3A_206, %get3A_258] : memref<128x128xf32, #tpu.memory_space<vmem>> -> memref<1x128xf32, #tpu.memory_space<vmem>>
        %get3A_260 = tpu.memref_squeeze %get3A_259 : memref<1x128xf32, #tpu.memory_space<vmem>> -> memref<128xf32, #tpu.memory_space<vmem>>
        %get3A_261 = arith.constant 64 : index
        %get3A_262 = tpu.vector_load %get3A_260[%get3A_261] {strides = array<i32>} : memref<128xf32, #tpu.memory_space<vmem>>, vector<16xf32>,
        %mul3A_263 = arith.mulf %get3A_257, %get3A_262 : vector<16xf32>
        %add3A_264 = arith.addf %add3A_252, %mul3A_263 : vector<16xf32>
        %get3A_265 = arith.constant 0 : i32
        %get3A_266 = tpu.memref_slice %arg13[%add3A_205, %get3A_265] : memref<128x128xf32, #tpu.memory_space<vmem>> -> memref<1x128xf32, #tpu.memory_space<vmem>>
        %get3A_267 = tpu.memref_squeeze %get3A_266 : memref<1x128xf32, #tpu.memory_space<vmem>> -> memref<128xf32, #tpu.memory_space<vmem>>
        %get3A_268 = arith.constant 80 : index
        %get3A_269 = tpu.vector_load %get3A_267[%get3A_268] {strides = array<i32>} : memref<128xf32, #tpu.memory_space<vmem>>, vector<16xf32>,
        %get3A_270 = arith.constant 0 : i32
        %get3A_271 = tpu.memref_slice %arg16[%add3A_206, %get3A_270] : memref<128x128xf32, #tpu.memory_space<vmem>> -> memref<1x128xf32, #tpu.memory_space<vmem>>
        %get3A_272 = tpu.memref_squeeze %get3A_271 : memref<1x128xf32, #tpu.memory_space<vmem>> -> memref<128xf32, #tpu.memory_space<vmem>>
        %get3A_273 = arith.constant 80 : index
        %get3A_274 = tpu.vector_load %get3A_272[%get3A_273] {strides = array<i32>} : memref<128xf32, #tpu.memory_space<vmem>>, vector<16xf32>,
        %mul3A_275 = arith.mulf %get3A_269, %get3A_274 : vector<16xf32>
        %add3A_276 = arith.addf %add3A_264, %mul3A_275 : vector<16xf32>
        %get3A_277 = arith.constant 0 : i32
        %get3A_278 = tpu.memref_slice %arg13[%add3A_205, %get3A_277] : memref<128x128xf32, #tpu.memory_space<vmem>> -> memref<1x128xf32, #tpu.memory_space<vmem>>
        %get3A_279 = tpu.memref_squeeze %get3A_278 : memref<1x128xf32, #tpu.memory_space<vmem>> -> memref<128xf32, #tpu.memory_space<vmem>>
        %get3A_280 = arith.constant 96 : index
        %get3A_281 = tpu.vector_load %get3A_279[%get3A_280] {strides = array<i32>} : memref<128xf32, #tpu.memory_space<vmem>>, vector<16xf32>,
        %get3A_282 = arith.constant 0 : i32
        %get3A_283 = tpu.memref_slice %arg16[%add3A_206, %get3A_282] : memref<128x128xf32, #tpu.memory_space<vmem>> -> memref<1x128xf32, #tpu.memory_space<vmem>>
        %get3A_284 = tpu.memref_squeeze %get3A_283 : memref<1x128xf32, #tpu.memory_space<vmem>> -> memref<128xf32, #tpu.memory_space<vmem>>
        %get3A_285 = arith.constant 96 : index
        %get3A_286 = tpu.vector_load %get3A_284[%get3A_285] {strides = array<i32>} : memref<128xf32, #tpu.memory_space<vmem>>, vector<16xf32>,
        %mul3A_287 = arith.mulf %get3A_281, %get3A_286 : vector<16xf32>
        %add3A_288 = arith.addf %add3A_276, %mul3A_287 : vector<16xf32>
        %get3A_289 = arith.constant 0 : i32
        %get3A_290 = tpu.memref_slice %arg13[%add3A_205, %get3A_289] : memref<128x128xf32, #tpu.memory_space<vmem>> -> memref<1x128xf32, #tpu.memory_space<vmem>>
        %get3A_291 = tpu.memref_squeeze %get3A_290 : memref<1x128xf32, #tpu.memory_space<vmem>> -> memref<128xf32, #tpu.memory_space<vmem>>
        %get3A_292 = arith.constant 112 : index
        %get3A_293 = tpu.vector_load %get3A_291[%get3A_292] {strides = array<i32>} : memref<128xf32, #tpu.memory_space<vmem>>, vector<16xf32>,
        %get3A_294 = arith.constant 0 : i32
        %get3A_295 = tpu.memref_slice %arg16[%add3A_206, %get3A_294] : memref<128x128xf32, #tpu.memory_space<vmem>> -> memref<1x128xf32, #tpu.memory_space<vmem>>
        %get3A_296 = tpu.memref_squeeze %get3A_295 : memref<1x128xf32, #tpu.memory_space<vmem>> -> memref<128xf32, #tpu.memory_space<vmem>>
        %get3A_297 = arith.constant 112 : index
        %get3A_298 = tpu.vector_load %get3A_296[%get3A_297] {strides = array<i32>} : memref<128xf32, #tpu.memory_space<vmem>>, vector<16xf32>,
        %mul3A_299 = arith.mulf %get3A_293, %get3A_298 : vector<16xf32>
        %add3A_300 = arith.addf %add3A_288, %mul3A_299 : vector<16xf32>
        %eq3A = vector.broadcast %scan3A_203 : i32 to vector<16xi32>
        %eq3A_301 = arith.cmpi eq, %iota3A, %eq3A : vector<16xi32>
        %reduce_sum3A = arith.constant true
        %reduce_sum3A_302 = vector.broadcast %reduce_sum3A : i1 to vector<16xi1>
        %reduce_sum3A_303 = tpu.scan <sum>, %add3A_300 masked %reduce_sum3A_302 : vector<16xf32>, vector<16xi1> -> vector<16xf32>
        %reduce_sum3A_304 = vector.extract %reduce_sum3A_303[15] : f32 from vector<16xf32>
        %jit3A = arith.constant 0.000000e+00 : f32
        %broadcast_in_dim3A_305 = vector.broadcast %reduce_sum3A_304 : f32 to vector<16xf32>
        %broadcast_in_dim3A_306 = vector.broadcast %jit3A : f32 to vector<16xf32>
        %select_n3A = arith.select %eq3A_301, %broadcast_in_dim3A_305, %broadcast_in_dim3A_306 : vector<16xi1>, vector<16xf32>
        %add3A_307 = arith.addf %scan3A_204, %select_n3A : vector<16xf32>
        %scan3A_308 = arith.constant 1 : i32
        %scan3A_309 = arith.addi %scan3A_203, %scan3A_308 : i32
        %add3A_310 = arith.addi %mul3A_191, %scan3A_309 : i32
        %add3A_311 = arith.addi %mul3A_191, %scan3A_309 : i32
        %get3A_312 = arith.constant 0 : i32
        %get3A_313 = tpu.memref_slice %arg13[%add3A_310, %get3A_312] : memref<128x128xf32, #tpu.memory_space<vmem>> -> memref<1x128xf32, #tpu.memory_space<vmem>>
        %get3A_314 = tpu.memref_squeeze %get3A_313 : memref<1x128xf32, #tpu.memory_space<vmem>> -> memref<128xf32, #tpu.memory_space<vmem>>
        %get3A_315 = arith.constant 0 : index
        %get3A_316 = tpu.vector_load %get3A_314[%get3A_315] {strides = array<i32>} : memref<128xf32, #tpu.memory_space<vmem>>, vector<16xf32>,
        %get3A_317 = arith.constant 0 : i32
        %get3A_318 = tpu.memref_slice %arg16[%add3A_311, %get3A_317] : memref<128x128xf32, #tpu.memory_space<vmem>> -> memref<1x128xf32, #tpu.memory_space<vmem>>
        %get3A_319 = tpu.memref_squeeze %get3A_318 : memref<1x128xf32, #tpu.memory_space<vmem>> -> memref<128xf32, #tpu.memory_space<vmem>>
        %get3A_320 = arith.constant 0 : index
        %get3A_321 = tpu.vector_load %get3A_319[%get3A_320] {strides = array<i32>} : memref<128xf32, #tpu.memory_space<vmem>>, vector<16xf32>,
        %mul3A_322 = arith.mulf %get3A_316, %get3A_321 : vector<16xf32>
        %get3A_323 = arith.constant 0 : i32
        %get3A_324 = tpu.memref_slice %arg13[%add3A_310, %get3A_323] : memref<128x128xf32, #tpu.memory_space<vmem>> -> memref<1x128xf32, #tpu.memory_space<vmem>>
        %get3A_325 = tpu.memref_squeeze %get3A_324 : memref<1x128xf32, #tpu.memory_space<vmem>> -> memref<128xf32, #tpu.memory_space<vmem>>
        %get3A_326 = arith.constant 16 : index
        %get3A_327 = tpu.vector_load %get3A_325[%get3A_326] {strides = array<i32>} : memref<128xf32, #tpu.memory_space<vmem>>, vector<16xf32>,
        %get3A_328 = arith.constant 0 : i32
        %get3A_329 = tpu.memref_slice %arg16[%add3A_311, %get3A_328] : memref<128x128xf32, #tpu.memory_space<vmem>> -> memref<1x128xf32, #tpu.memory_space<vmem>>
        %get3A_330 = tpu.memref_squeeze %get3A_329 : memref<1x128xf32, #tpu.memory_space<vmem>> -> memref<128xf32, #tpu.memory_space<vmem>>
        %get3A_331 = arith.constant 16 : index
        %get3A_332 = tpu.vector_load %get3A_330[%get3A_331] {strides = array<i32>} : memref<128xf32, #tpu.memory_space<vmem>>, vector<16xf32>,
        %mul3A_333 = arith.mulf %get3A_327, %get3A_332 : vector<16xf32>
        %add3A_334 = arith.addf %mul3A_322, %mul3A_333 : vector<16xf32>
        %get3A_335 = arith.constant 0 : i32
        %get3A_336 = tpu.memref_slice %arg13[%add3A_310, %get3A_335] : memref<128x128xf32, #tpu.memory_space<vmem>> -> memref<1x128xf32, #tpu.memory_space<vmem>>
        %get3A_337 = tpu.memref_squeeze %get3A_336 : memref<1x128xf32, #tpu.memory_space<vmem>> -> memref<128xf32, #tpu.memory_space<vmem>>
        %get3A_338 = arith.constant 32 : index
        %get3A_339 = tpu.vector_load %get3A_337[%get3A_338] {strides = array<i32>} : memref<128xf32, #tpu.memory_space<vmem>>, vector<16xf32>,
        %get3A_340 = arith.constant 0 : i32
        %get3A_341 = tpu.memref_slice %arg16[%add3A_311, %get3A_340] : memref<128x128xf32, #tpu.memory_space<vmem>> -> memref<1x128xf32, #tpu.memory_space<vmem>>
        %get3A_342 = tpu.memref_squeeze %get3A_341 : memref<1x128xf32, #tpu.memory_space<vmem>> -> memref<128xf32, #tpu.memory_space<vmem>>
        %get3A_343 = arith.constant 32 : index
        %get3A_344 = tpu.vector_load %get3A_342[%get3A_343] {strides = array<i32>} : memref<128xf32, #tpu.memory_space<vmem>>, vector<16xf32>,
        %mul3A_345 = arith.mulf %get3A_339, %get3A_344 : vector<16xf32>
        %add3A_346 = arith.addf %add3A_334, %mul3A_345 : vector<16xf32>
        %get3A_347 = arith.constant 0 : i32
        %get3A_348 = tpu.memref_slice %arg13[%add3A_310, %get3A_347] : memref<128x128xf32, #tpu.memory_space<vmem>> -> memref<1x128xf32, #tpu.memory_space<vmem>>
        %get3A_349 = tpu.memref_squeeze %get3A_348 : memref<1x128xf32, #tpu.memory_space<vmem>> -> memref<128xf32, #tpu.memory_space<vmem>>
        %get3A_350 = arith.constant 48 : index
        %get3A_351 = tpu.vector_load %get3A_349[%get3A_350] {strides = array<i32>} : memref<128xf32, #tpu.memory_space<vmem>>, vector<16xf32>,
        %get3A_352 = arith.constant 0 : i32
        %get3A_353 = tpu.memref_slice %arg16[%add3A_311, %get3A_352] : memref<128x128xf32, #tpu.memory_space<vmem>> -> memref<1x128xf32, #tpu.memory_space<vmem>>
        %get3A_354 = tpu.memref_squeeze %get3A_353 : memref<1x128xf32, #tpu.memory_space<vmem>> -> memref<128xf32, #tpu.memory_space<vmem>>
        %get3A_355 = arith.constant 48 : index
        %get3A_356 = tpu.vector_load %get3A_354[%get3A_355] {strides = array<i32>} : memref<128xf32, #tpu.memory_space<vmem>>, vector<16xf32>,
        %mul3A_357 = arith.mulf %get3A_351, %get3A_356 : vector<16xf32>
        %add3A_358 = arith.addf %add3A_346, %mul3A_357 : vector<16xf32>
        %get3A_359 = arith.constant 0 : i32
        %get3A_360 = tpu.memref_slice %arg13[%add3A_310, %get3A_359] : memref<128x128xf32, #tpu.memory_space<vmem>> -> memref<1x128xf32, #tpu.memory_space<vmem>>
        %get3A_361 = tpu.memref_squeeze %get3A_360 : memref<1x128xf32, #tpu.memory_space<vmem>> -> memref<128xf32, #tpu.memory_space<vmem>>
        %get3A_362 = arith.constant 64 : index
        %get3A_363 = tpu.vector_load %get3A_361[%get3A_362] {strides = array<i32>} : memref<128xf32, #tpu.memory_space<vmem>>, vector<16xf32>,
        %get3A_364 = arith.constant 0 : i32
        %get3A_365 = tpu.memref_slice %arg16[%add3A_311, %get3A_364] : memref<128x128xf32, #tpu.memory_space<vmem>> -> memref<1x128xf32, #tpu.memory_space<vmem>>
        %get3A_366 = tpu.memref_squeeze %get3A_365 : memref<1x128xf32, #tpu.memory_space<vmem>> -> memref<128xf32, #tpu.memory_space<vmem>>
        %get3A_367 = arith.constant 64 : index
        %get3A_368 = tpu.vector_load %get3A_366[%get3A_367] {strides = array<i32>} : memref<128xf32, #tpu.memory_space<vmem>>, vector<16xf32>,
        %mul3A_369 = arith.mulf %get3A_363, %get3A_368 : vector<16xf32>
        %add3A_370 = arith.addf %add3A_358, %mul3A_369 : vector<16xf32>
        %get3A_371 = arith.constant 0 : i32
        %get3A_372 = tpu.memref_slice %arg13[%add3A_310, %get3A_371] : memref<128x128xf32, #tpu.memory_space<vmem>> -> memref<1x128xf32, #tpu.memory_space<vmem>>
        %get3A_373 = tpu.memref_squeeze %get3A_372 : memref<1x128xf32, #tpu.memory_space<vmem>> -> memref<128xf32, #tpu.memory_space<vmem>>
        %get3A_374 = arith.constant 80 : index
        %get3A_375 = tpu.vector_load %get3A_373[%get3A_374] {strides = array<i32>} : memref<128xf32, #tpu.memory_space<vmem>>, vector<16xf32>,
        %get3A_376 = arith.constant 0 : i32
        %get3A_377 = tpu.memref_slice %arg16[%add3A_311, %get3A_376] : memref<128x128xf32, #tpu.memory_space<vmem>> -> memref<1x128xf32, #tpu.memory_space<vmem>>
        %get3A_378 = tpu.memref_squeeze %get3A_377 : memref<1x128xf32, #tpu.memory_space<vmem>> -> memref<128xf32, #tpu.memory_space<vmem>>
        %get3A_379 = arith.constant 80 : index
        %get3A_380 = tpu.vector_load %get3A_378[%get3A_379] {strides = array<i32>} : memref<128xf32, #tpu.memory_space<vmem>>, vector<16xf32>,
        %mul3A_381 = arith.mulf %get3A_375, %get3A_380 : vector<16xf32>
        %add3A_382 = arith.addf %add3A_370, %mul3A_381 : vector<16xf32>
        %get3A_383 = arith.constant 0 : i32
        %get3A_384 = tpu.memref_slice %arg13[%add3A_310, %get3A_383] : memref<128x128xf32, #tpu.memory_space<vmem>> -> memref<1x128xf32, #tpu.memory_space<vmem>>
        %get3A_385 = tpu.memref_squeeze %get3A_384 : memref<1x128xf32, #tpu.memory_space<vmem>> -> memref<128xf32, #tpu.memory_space<vmem>>
        %get3A_386 = arith.constant 96 : index
        %get3A_387 = tpu.vector_load %get3A_385[%get3A_386] {strides = array<i32>} : memref<128xf32, #tpu.memory_space<vmem>>, vector<16xf32>,
        %get3A_388 = arith.constant 0 : i32
        %get3A_389 = tpu.memref_slice %arg16[%add3A_311, %get3A_388] : memref<128x128xf32, #tpu.memory_space<vmem>> -> memref<1x128xf32, #tpu.memory_space<vmem>>
        %get3A_390 = tpu.memref_squeeze %get3A_389 : memref<1x128xf32, #tpu.memory_space<vmem>> -> memref<128xf32, #tpu.memory_space<vmem>>
        %get3A_391 = arith.constant 96 : index
        %get3A_392 = tpu.vector_load %get3A_390[%get3A_391] {strides = array<i32>} : memref<128xf32, #tpu.memory_space<vmem>>, vector<16xf32>,
        %mul3A_393 = arith.mulf %get3A_387, %get3A_392 : vector<16xf32>
        %add3A_394 = arith.addf %add3A_382, %mul3A_393 : vector<16xf32>
        %get3A_395 = arith.constant 0 : i32
        %get3A_396 = tpu.memref_slice %arg13[%add3A_310, %get3A_395] : memref<128x128xf32, #tpu.memory_space<vmem>> -> memref<1x128xf32, #tpu.memory_space<vmem>>
        %get3A_397 = tpu.memref_squeeze %get3A_396 : memref<1x128xf32, #tpu.memory_space<vmem>> -> memref<128xf32, #tpu.memory_space<vmem>>
        %get3A_398 = arith.constant 112 : index
        %get3A_399 = tpu.vector_load %get3A_397[%get3A_398] {strides = array<i32>} : memref<128xf32, #tpu.memory_space<vmem>>, vector<16xf32>,
        %get3A_400 = arith.constant 0 : i32
        %get3A_401 = tpu.memref_slice %arg16[%add3A_311, %get3A_400] : memref<128x128xf32, #tpu.memory_space<vmem>> -> memref<1x128xf32, #tpu.memory_space<vmem>>
        %get3A_402 = tpu.memref_squeeze %get3A_401 : memref<1x128xf32, #tpu.memory_space<vmem>> -> memref<128xf32, #tpu.memory_space<vmem>>
        %get3A_403 = arith.constant 112 : index
        %get3A_404 = tpu.vector_load %get3A_402[%get3A_403] {strides = array<i32>} : memref<128xf32, #tpu.memory_space<vmem>>, vector<16xf32>,
        %mul3A_405 = arith.mulf %get3A_399, %get3A_404 : vector<16xf32>
        %add3A_406 = arith.addf %add3A_394, %mul3A_405 : vector<16xf32>
        %eq3A_407 = vector.broadcast %scan3A_309 : i32 to vector<16xi32>
        %eq3A_408 = arith.cmpi eq, %iota3A, %eq3A_407 : vector<16xi32>
        %reduce_sum3A_409 = arith.constant true
        %reduce_sum3A_410 = vector.broadcast %reduce_sum3A_409 : i1 to vector<16xi1>
        %reduce_sum3A_411 = tpu.scan <sum>, %add3A_406 masked %reduce_sum3A_410 : vector<16xf32>, vector<16xi1> -> vector<16xf32>
        %reduce_sum3A_412 = vector.extract %reduce_sum3A_411[15] : f32 from vector<16xf32>
        %jit3A_413 = arith.constant 0.000000e+00 : f32
        %broadcast_in_dim3A_414 = vector.broadcast %reduce_sum3A_412 : f32 to vector<16xf32>
        %broadcast_in_dim3A_415 = vector.broadcast %jit3A_413 : f32 to vector<16xf32>
        %select_n3A_416 = arith.select %eq3A_408, %broadcast_in_dim3A_414, %broadcast_in_dim3A_415 : vector<16xi1>, vector<16xf32>
        %add3A_417 = arith.addf %add3A_307, %select_n3A_416 : vector<16xf32>
        scf.yield %add3A_417 : vector<16xf32>
      }
      %scan3A_198 = arith.constant 16 : i32
      %add3A_199 = arith.constant 256 : i32
      %add3A_200 = arith.addi %add3A_199, %mul3A_191 : i32
      %swap3A = arith.index_cast %add3A_200 : i32 to index
      %swap3A_201 = tpu.vector_load %arg17[%swap3A] {strides = array<i32>} : memref<512xf32, #tpu.memory_space<vmem>>, vector<16xf32>,
      tpu.vector_store %arg17[%swap3A], %scan3A_197 {strides = array<i32>} : memref<512xf32, #tpu.memory_space<vmem>>, vector<16xf32>,
      %scan3A_202 = arith.constant 0 : i32
      scf.yield %scan3A_202 : i32
    }
    %scan3A_134 = arith.constant 8 : i32
    %dma_wait3A_135 = arith.constant 384 : i32
    %dma_wait3A_136 = tpu.memref_slice %arg9[%dma_wait3A_135] : memref<512xi32, #tpu.memory_space<vmem>> -> memref<128xi32, #tpu.memory_space<vmem>>
    %dma_wait3A_137 = arith.constant 0 : i32
    %dma_wait3A_138 = arith.constant 0 : i32
    %dma_wait3A_139 = tpu.memref_slice %arg4[%dma_wait3A_137, %dma_wait3A_138] : memref<1000000x128xf32, #tpu.memory_space<hbm>> -> memref<1000000x128xf32, #tpu.memory_space<hbm>>
    tpu.wait_indirect_dma semaphore(%arg18 : memref<!tpu.dma_semaphore, #tpu.memory_space<semaphore_mem>>) src(%dma_wait3A_139 : memref<1000000x128xf32, #tpu.memory_space<hbm>>) dst(%arg11 : memref<128x128xf32, #tpu.memory_space<vmem>>)
    %dma_wait3A_140 = arith.constant 384 : i32
    %dma_wait3A_141 = tpu.memref_slice %arg10[%dma_wait3A_140] : memref<512xi32, #tpu.memory_space<vmem>> -> memref<128xi32, #tpu.memory_space<vmem>>
    %dma_wait3A_142 = arith.constant 0 : i32
    %dma_wait3A_143 = arith.constant 0 : i32
    %dma_wait3A_144 = tpu.memref_slice %arg5[%dma_wait3A_142, %dma_wait3A_143] : memref<1000000x128xf32, #tpu.memory_space<hbm>> -> memref<1000000x128xf32, #tpu.memory_space<hbm>>
    tpu.wait_indirect_dma semaphore(%arg18 : memref<!tpu.dma_semaphore, #tpu.memory_space<semaphore_mem>>) src(%dma_wait3A_144 : memref<1000000x128xf32, #tpu.memory_space<hbm>>) dst(%arg14 : memref<128x128xf32, #tpu.memory_space<vmem>>)
    %add3A_145 = arith.constant 384 : i32
    %add3A_146 = arith.addi %mul3A_2, %add3A_145 : i32
    %dma_start3A_147 = arith.constant 0 : i32
    %dma_start3A_148 = tpu.memref_slice %arg7[%add3A_146, %dma_start3A_147] : memref<16384x128xf32, #tpu.memory_space<hbm>> -> memref<128x128xf32, #tpu.memory_space<hbm>>
    %dma_start3A_149 = arith.constant 0 : i32
    %dma_start3A_150 = tpu.memref_slice %arg7[%add3A_146, %dma_start3A_149] : memref<16384x128xf32, #tpu.memory_space<hbm>> -> memref<128x128xf32, #tpu.memory_space<hbm>>
    tpu.enqueue_dma source(%arg11 : memref<128x128xf32, #tpu.memory_space<vmem>>) target(%dma_start3A_150 : memref<128x128xf32, #tpu.memory_space<hbm>>) target_semaphore(%arg21 : memref<!tpu.dma_semaphore, #tpu.memory_space<semaphore_mem>>)
    %add3A_151 = arith.constant 384 : i32
    %add3A_152 = arith.addi %mul3A_2, %add3A_151 : i32
    %dma_start3A_153 = arith.constant 0 : i32
    %dma_start3A_154 = tpu.memref_slice %arg8[%add3A_152, %dma_start3A_153] : memref<16384x128xf32, #tpu.memory_space<hbm>> -> memref<128x128xf32, #tpu.memory_space<hbm>>
    %dma_start3A_155 = arith.constant 0 : i32
    %dma_start3A_156 = tpu.memref_slice %arg8[%add3A_152, %dma_start3A_155] : memref<16384x128xf32, #tpu.memory_space<hbm>> -> memref<128x128xf32, #tpu.memory_space<hbm>>
    tpu.enqueue_dma source(%arg14 : memref<128x128xf32, #tpu.memory_space<vmem>>) target(%dma_start3A_156 : memref<128x128xf32, #tpu.memory_space<hbm>>) target_semaphore(%arg21 : memref<!tpu.dma_semaphore, #tpu.memory_space<semaphore_mem>>)
    %scan3A_157 = arith.constant 0 : i32
    %scan3A_158 = arith.constant 0 : i32
    %scan3A_159 = arith.constant 8 : i32
    %scan3A_160 = arith.addi %scan3A_158, %scan3A_159 : i32
    %scan3A_161 = arith.constant 1 : i32
    %scan3A_162 = scf.for %scan3A_188 = %scan3A_158 to %scan3A_160 step %scan3A_161 iter_args(%scan3A_189 = %scan3A_157) -> (i32)  : i32 {
      %mul3A_190 = arith.constant 16 : i32
      %mul3A_191 = arith.muli %scan3A_188, %mul3A_190 : i32
      %broadcast_in_dim3A = arith.constant 0.000000e+00 : f32
      %broadcast_in_dim3A_192 = vector.broadcast %broadcast_in_dim3A : f32 to vector<16xf32>
      %scan3A_193 = arith.constant 0 : i32
      %scan3A_194 = arith.constant 16 : i32
      %scan3A_195 = arith.addi %scan3A_193, %scan3A_194 : i32
      %scan3A_196 = arith.constant 2 : i32
      %scan3A_197 = scf.for %scan3A_203 = %scan3A_193 to %scan3A_195 step %scan3A_196 iter_args(%scan3A_204 = %broadcast_in_dim3A_192) -> (vector<16xf32>)  : i32 {
        %add3A_205 = arith.addi %mul3A_191, %scan3A_203 : i32
        %add3A_206 = arith.addi %mul3A_191, %scan3A_203 : i32
        %get3A = arith.constant 0 : i32
        %get3A_207 = tpu.memref_slice %arg11[%add3A_205, %get3A] : memref<128x128xf32, #tpu.memory_space<vmem>> -> memref<1x128xf32, #tpu.memory_space<vmem>>
        %get3A_208 = tpu.memref_squeeze %get3A_207 : memref<1x128xf32, #tpu.memory_space<vmem>> -> memref<128xf32, #tpu.memory_space<vmem>>
        %get3A_209 = arith.constant 0 : index
        %get3A_210 = tpu.vector_load %get3A_208[%get3A_209] {strides = array<i32>} : memref<128xf32, #tpu.memory_space<vmem>>, vector<16xf32>,
        %get3A_211 = arith.constant 0 : i32
        %get3A_212 = tpu.memref_slice %arg14[%add3A_206, %get3A_211] : memref<128x128xf32, #tpu.memory_space<vmem>> -> memref<1x128xf32, #tpu.memory_space<vmem>>
        %get3A_213 = tpu.memref_squeeze %get3A_212 : memref<1x128xf32, #tpu.memory_space<vmem>> -> memref<128xf32, #tpu.memory_space<vmem>>
        %get3A_214 = arith.constant 0 : index
        %get3A_215 = tpu.vector_load %get3A_213[%get3A_214] {strides = array<i32>} : memref<128xf32, #tpu.memory_space<vmem>>, vector<16xf32>,
        %mul3A_216 = arith.mulf %get3A_210, %get3A_215 : vector<16xf32>
        %get3A_217 = arith.constant 0 : i32
        %get3A_218 = tpu.memref_slice %arg11[%add3A_205, %get3A_217] : memref<128x128xf32, #tpu.memory_space<vmem>> -> memref<1x128xf32, #tpu.memory_space<vmem>>
        %get3A_219 = tpu.memref_squeeze %get3A_218 : memref<1x128xf32, #tpu.memory_space<vmem>> -> memref<128xf32, #tpu.memory_space<vmem>>
        %get3A_220 = arith.constant 16 : index
        %get3A_221 = tpu.vector_load %get3A_219[%get3A_220] {strides = array<i32>} : memref<128xf32, #tpu.memory_space<vmem>>, vector<16xf32>,
        %get3A_222 = arith.constant 0 : i32
        %get3A_223 = tpu.memref_slice %arg14[%add3A_206, %get3A_222] : memref<128x128xf32, #tpu.memory_space<vmem>> -> memref<1x128xf32, #tpu.memory_space<vmem>>
        %get3A_224 = tpu.memref_squeeze %get3A_223 : memref<1x128xf32, #tpu.memory_space<vmem>> -> memref<128xf32, #tpu.memory_space<vmem>>
        %get3A_225 = arith.constant 16 : index
        %get3A_226 = tpu.vector_load %get3A_224[%get3A_225] {strides = array<i32>} : memref<128xf32, #tpu.memory_space<vmem>>, vector<16xf32>,
        %mul3A_227 = arith.mulf %get3A_221, %get3A_226 : vector<16xf32>
        %add3A_228 = arith.addf %mul3A_216, %mul3A_227 : vector<16xf32>
        %get3A_229 = arith.constant 0 : i32
        %get3A_230 = tpu.memref_slice %arg11[%add3A_205, %get3A_229] : memref<128x128xf32, #tpu.memory_space<vmem>> -> memref<1x128xf32, #tpu.memory_space<vmem>>
        %get3A_231 = tpu.memref_squeeze %get3A_230 : memref<1x128xf32, #tpu.memory_space<vmem>> -> memref<128xf32, #tpu.memory_space<vmem>>
        %get3A_232 = arith.constant 32 : index
        %get3A_233 = tpu.vector_load %get3A_231[%get3A_232] {strides = array<i32>} : memref<128xf32, #tpu.memory_space<vmem>>, vector<16xf32>,
        %get3A_234 = arith.constant 0 : i32
        %get3A_235 = tpu.memref_slice %arg14[%add3A_206, %get3A_234] : memref<128x128xf32, #tpu.memory_space<vmem>> -> memref<1x128xf32, #tpu.memory_space<vmem>>
        %get3A_236 = tpu.memref_squeeze %get3A_235 : memref<1x128xf32, #tpu.memory_space<vmem>> -> memref<128xf32, #tpu.memory_space<vmem>>
        %get3A_237 = arith.constant 32 : index
        %get3A_238 = tpu.vector_load %get3A_236[%get3A_237] {strides = array<i32>} : memref<128xf32, #tpu.memory_space<vmem>>, vector<16xf32>,
        %mul3A_239 = arith.mulf %get3A_233, %get3A_238 : vector<16xf32>
        %add3A_240 = arith.addf %add3A_228, %mul3A_239 : vector<16xf32>
        %get3A_241 = arith.constant 0 : i32
        %get3A_242 = tpu.memref_slice %arg11[%add3A_205, %get3A_241] : memref<128x128xf32, #tpu.memory_space<vmem>> -> memref<1x128xf32, #tpu.memory_space<vmem>>
        %get3A_243 = tpu.memref_squeeze %get3A_242 : memref<1x128xf32, #tpu.memory_space<vmem>> -> memref<128xf32, #tpu.memory_space<vmem>>
        %get3A_244 = arith.constant 48 : index
        %get3A_245 = tpu.vector_load %get3A_243[%get3A_244] {strides = array<i32>} : memref<128xf32, #tpu.memory_space<vmem>>, vector<16xf32>,
        %get3A_246 = arith.constant 0 : i32
        %get3A_247 = tpu.memref_slice %arg14[%add3A_206, %get3A_246] : memref<128x128xf32, #tpu.memory_space<vmem>> -> memref<1x128xf32, #tpu.memory_space<vmem>>
        %get3A_248 = tpu.memref_squeeze %get3A_247 : memref<1x128xf32, #tpu.memory_space<vmem>> -> memref<128xf32, #tpu.memory_space<vmem>>
        %get3A_249 = arith.constant 48 : index
        %get3A_250 = tpu.vector_load %get3A_248[%get3A_249] {strides = array<i32>} : memref<128xf32, #tpu.memory_space<vmem>>, vector<16xf32>,
        %mul3A_251 = arith.mulf %get3A_245, %get3A_250 : vector<16xf32>
        %add3A_252 = arith.addf %add3A_240, %mul3A_251 : vector<16xf32>
        %get3A_253 = arith.constant 0 : i32
        %get3A_254 = tpu.memref_slice %arg11[%add3A_205, %get3A_253] : memref<128x128xf32, #tpu.memory_space<vmem>> -> memref<1x128xf32, #tpu.memory_space<vmem>>
        %get3A_255 = tpu.memref_squeeze %get3A_254 : memref<1x128xf32, #tpu.memory_space<vmem>> -> memref<128xf32, #tpu.memory_space<vmem>>
        %get3A_256 = arith.constant 64 : index
        %get3A_257 = tpu.vector_load %get3A_255[%get3A_256] {strides = array<i32>} : memref<128xf32, #tpu.memory_space<vmem>>, vector<16xf32>,
        %get3A_258 = arith.constant 0 : i32
        %get3A_259 = tpu.memref_slice %arg14[%add3A_206, %get3A_258] : memref<128x128xf32, #tpu.memory_space<vmem>> -> memref<1x128xf32, #tpu.memory_space<vmem>>
        %get3A_260 = tpu.memref_squeeze %get3A_259 : memref<1x128xf32, #tpu.memory_space<vmem>> -> memref<128xf32, #tpu.memory_space<vmem>>
        %get3A_261 = arith.constant 64 : index
        %get3A_262 = tpu.vector_load %get3A_260[%get3A_261] {strides = array<i32>} : memref<128xf32, #tpu.memory_space<vmem>>, vector<16xf32>,
        %mul3A_263 = arith.mulf %get3A_257, %get3A_262 : vector<16xf32>
        %add3A_264 = arith.addf %add3A_252, %mul3A_263 : vector<16xf32>
        %get3A_265 = arith.constant 0 : i32
        %get3A_266 = tpu.memref_slice %arg11[%add3A_205, %get3A_265] : memref<128x128xf32, #tpu.memory_space<vmem>> -> memref<1x128xf32, #tpu.memory_space<vmem>>
        %get3A_267 = tpu.memref_squeeze %get3A_266 : memref<1x128xf32, #tpu.memory_space<vmem>> -> memref<128xf32, #tpu.memory_space<vmem>>
        %get3A_268 = arith.constant 80 : index
        %get3A_269 = tpu.vector_load %get3A_267[%get3A_268] {strides = array<i32>} : memref<128xf32, #tpu.memory_space<vmem>>, vector<16xf32>,
        %get3A_270 = arith.constant 0 : i32
        %get3A_271 = tpu.memref_slice %arg14[%add3A_206, %get3A_270] : memref<128x128xf32, #tpu.memory_space<vmem>> -> memref<1x128xf32, #tpu.memory_space<vmem>>
        %get3A_272 = tpu.memref_squeeze %get3A_271 : memref<1x128xf32, #tpu.memory_space<vmem>> -> memref<128xf32, #tpu.memory_space<vmem>>
        %get3A_273 = arith.constant 80 : index
        %get3A_274 = tpu.vector_load %get3A_272[%get3A_273] {strides = array<i32>} : memref<128xf32, #tpu.memory_space<vmem>>, vector<16xf32>,
        %mul3A_275 = arith.mulf %get3A_269, %get3A_274 : vector<16xf32>
        %add3A_276 = arith.addf %add3A_264, %mul3A_275 : vector<16xf32>
        %get3A_277 = arith.constant 0 : i32
        %get3A_278 = tpu.memref_slice %arg11[%add3A_205, %get3A_277] : memref<128x128xf32, #tpu.memory_space<vmem>> -> memref<1x128xf32, #tpu.memory_space<vmem>>
        %get3A_279 = tpu.memref_squeeze %get3A_278 : memref<1x128xf32, #tpu.memory_space<vmem>> -> memref<128xf32, #tpu.memory_space<vmem>>
        %get3A_280 = arith.constant 96 : index
        %get3A_281 = tpu.vector_load %get3A_279[%get3A_280] {strides = array<i32>} : memref<128xf32, #tpu.memory_space<vmem>>, vector<16xf32>,
        %get3A_282 = arith.constant 0 : i32
        %get3A_283 = tpu.memref_slice %arg14[%add3A_206, %get3A_282] : memref<128x128xf32, #tpu.memory_space<vmem>> -> memref<1x128xf32, #tpu.memory_space<vmem>>
        %get3A_284 = tpu.memref_squeeze %get3A_283 : memref<1x128xf32, #tpu.memory_space<vmem>> -> memref<128xf32, #tpu.memory_space<vmem>>
        %get3A_285 = arith.constant 96 : index
        %get3A_286 = tpu.vector_load %get3A_284[%get3A_285] {strides = array<i32>} : memref<128xf32, #tpu.memory_space<vmem>>, vector<16xf32>,
        %mul3A_287 = arith.mulf %get3A_281, %get3A_286 : vector<16xf32>
        %add3A_288 = arith.addf %add3A_276, %mul3A_287 : vector<16xf32>
        %get3A_289 = arith.constant 0 : i32
        %get3A_290 = tpu.memref_slice %arg11[%add3A_205, %get3A_289] : memref<128x128xf32, #tpu.memory_space<vmem>> -> memref<1x128xf32, #tpu.memory_space<vmem>>
        %get3A_291 = tpu.memref_squeeze %get3A_290 : memref<1x128xf32, #tpu.memory_space<vmem>> -> memref<128xf32, #tpu.memory_space<vmem>>
        %get3A_292 = arith.constant 112 : index
        %get3A_293 = tpu.vector_load %get3A_291[%get3A_292] {strides = array<i32>} : memref<128xf32, #tpu.memory_space<vmem>>, vector<16xf32>,
        %get3A_294 = arith.constant 0 : i32
        %get3A_295 = tpu.memref_slice %arg14[%add3A_206, %get3A_294] : memref<128x128xf32, #tpu.memory_space<vmem>> -> memref<1x128xf32, #tpu.memory_space<vmem>>
        %get3A_296 = tpu.memref_squeeze %get3A_295 : memref<1x128xf32, #tpu.memory_space<vmem>> -> memref<128xf32, #tpu.memory_space<vmem>>
        %get3A_297 = arith.constant 112 : index
        %get3A_298 = tpu.vector_load %get3A_296[%get3A_297] {strides = array<i32>} : memref<128xf32, #tpu.memory_space<vmem>>, vector<16xf32>,
        %mul3A_299 = arith.mulf %get3A_293, %get3A_298 : vector<16xf32>
        %add3A_300 = arith.addf %add3A_288, %mul3A_299 : vector<16xf32>
        %eq3A = vector.broadcast %scan3A_203 : i32 to vector<16xi32>
        %eq3A_301 = arith.cmpi eq, %iota3A, %eq3A : vector<16xi32>
        %reduce_sum3A = arith.constant true
        %reduce_sum3A_302 = vector.broadcast %reduce_sum3A : i1 to vector<16xi1>
        %reduce_sum3A_303 = tpu.scan <sum>, %add3A_300 masked %reduce_sum3A_302 : vector<16xf32>, vector<16xi1> -> vector<16xf32>
        %reduce_sum3A_304 = vector.extract %reduce_sum3A_303[15] : f32 from vector<16xf32>
        %jit3A = arith.constant 0.000000e+00 : f32
        %broadcast_in_dim3A_305 = vector.broadcast %reduce_sum3A_304 : f32 to vector<16xf32>
        %broadcast_in_dim3A_306 = vector.broadcast %jit3A : f32 to vector<16xf32>
        %select_n3A = arith.select %eq3A_301, %broadcast_in_dim3A_305, %broadcast_in_dim3A_306 : vector<16xi1>, vector<16xf32>
        %add3A_307 = arith.addf %scan3A_204, %select_n3A : vector<16xf32>
        %scan3A_308 = arith.constant 1 : i32
        %scan3A_309 = arith.addi %scan3A_203, %scan3A_308 : i32
        %add3A_310 = arith.addi %mul3A_191, %scan3A_309 : i32
        %add3A_311 = arith.addi %mul3A_191, %scan3A_309 : i32
        %get3A_312 = arith.constant 0 : i32
        %get3A_313 = tpu.memref_slice %arg11[%add3A_310, %get3A_312] : memref<128x128xf32, #tpu.memory_space<vmem>> -> memref<1x128xf32, #tpu.memory_space<vmem>>
        %get3A_314 = tpu.memref_squeeze %get3A_313 : memref<1x128xf32, #tpu.memory_space<vmem>> -> memref<128xf32, #tpu.memory_space<vmem>>
        %get3A_315 = arith.constant 0 : index
        %get3A_316 = tpu.vector_load %get3A_314[%get3A_315] {strides = array<i32>} : memref<128xf32, #tpu.memory_space<vmem>>, vector<16xf32>,
        %get3A_317 = arith.constant 0 : i32
        %get3A_318 = tpu.memref_slice %arg14[%add3A_311, %get3A_317] : memref<128x128xf32, #tpu.memory_space<vmem>> -> memref<1x128xf32, #tpu.memory_space<vmem>>
        %get3A_319 = tpu.memref_squeeze %get3A_318 : memref<1x128xf32, #tpu.memory_space<vmem>> -> memref<128xf32, #tpu.memory_space<vmem>>
        %get3A_320 = arith.constant 0 : index
        %get3A_321 = tpu.vector_load %get3A_319[%get3A_320] {strides = array<i32>} : memref<128xf32, #tpu.memory_space<vmem>>, vector<16xf32>,
        %mul3A_322 = arith.mulf %get3A_316, %get3A_321 : vector<16xf32>
        %get3A_323 = arith.constant 0 : i32
        %get3A_324 = tpu.memref_slice %arg11[%add3A_310, %get3A_323] : memref<128x128xf32, #tpu.memory_space<vmem>> -> memref<1x128xf32, #tpu.memory_space<vmem>>
        %get3A_325 = tpu.memref_squeeze %get3A_324 : memref<1x128xf32, #tpu.memory_space<vmem>> -> memref<128xf32, #tpu.memory_space<vmem>>
        %get3A_326 = arith.constant 16 : index
        %get3A_327 = tpu.vector_load %get3A_325[%get3A_326] {strides = array<i32>} : memref<128xf32, #tpu.memory_space<vmem>>, vector<16xf32>,
        %get3A_328 = arith.constant 0 : i32
        %get3A_329 = tpu.memref_slice %arg14[%add3A_311, %get3A_328] : memref<128x128xf32, #tpu.memory_space<vmem>> -> memref<1x128xf32, #tpu.memory_space<vmem>>
        %get3A_330 = tpu.memref_squeeze %get3A_329 : memref<1x128xf32, #tpu.memory_space<vmem>> -> memref<128xf32, #tpu.memory_space<vmem>>
        %get3A_331 = arith.constant 16 : index
        %get3A_332 = tpu.vector_load %get3A_330[%get3A_331] {strides = array<i32>} : memref<128xf32, #tpu.memory_space<vmem>>, vector<16xf32>,
        %mul3A_333 = arith.mulf %get3A_327, %get3A_332 : vector<16xf32>
        %add3A_334 = arith.addf %mul3A_322, %mul3A_333 : vector<16xf32>
        %get3A_335 = arith.constant 0 : i32
        %get3A_336 = tpu.memref_slice %arg11[%add3A_310, %get3A_335] : memref<128x128xf32, #tpu.memory_space<vmem>> -> memref<1x128xf32, #tpu.memory_space<vmem>>
        %get3A_337 = tpu.memref_squeeze %get3A_336 : memref<1x128xf32, #tpu.memory_space<vmem>> -> memref<128xf32, #tpu.memory_space<vmem>>
        %get3A_338 = arith.constant 32 : index
        %get3A_339 = tpu.vector_load %get3A_337[%get3A_338] {strides = array<i32>} : memref<128xf32, #tpu.memory_space<vmem>>, vector<16xf32>,
        %get3A_340 = arith.constant 0 : i32
        %get3A_341 = tpu.memref_slice %arg14[%add3A_311, %get3A_340] : memref<128x128xf32, #tpu.memory_space<vmem>> -> memref<1x128xf32, #tpu.memory_space<vmem>>
        %get3A_342 = tpu.memref_squeeze %get3A_341 : memref<1x128xf32, #tpu.memory_space<vmem>> -> memref<128xf32, #tpu.memory_space<vmem>>
        %get3A_343 = arith.constant 32 : index
        %get3A_344 = tpu.vector_load %get3A_342[%get3A_343] {strides = array<i32>} : memref<128xf32, #tpu.memory_space<vmem>>, vector<16xf32>,
        %mul3A_345 = arith.mulf %get3A_339, %get3A_344 : vector<16xf32>
        %add3A_346 = arith.addf %add3A_334, %mul3A_345 : vector<16xf32>
        %get3A_347 = arith.constant 0 : i32
        %get3A_348 = tpu.memref_slice %arg11[%add3A_310, %get3A_347] : memref<128x128xf32, #tpu.memory_space<vmem>> -> memref<1x128xf32, #tpu.memory_space<vmem>>
        %get3A_349 = tpu.memref_squeeze %get3A_348 : memref<1x128xf32, #tpu.memory_space<vmem>> -> memref<128xf32, #tpu.memory_space<vmem>>
        %get3A_350 = arith.constant 48 : index
        %get3A_351 = tpu.vector_load %get3A_349[%get3A_350] {strides = array<i32>} : memref<128xf32, #tpu.memory_space<vmem>>, vector<16xf32>,
        %get3A_352 = arith.constant 0 : i32
        %get3A_353 = tpu.memref_slice %arg14[%add3A_311, %get3A_352] : memref<128x128xf32, #tpu.memory_space<vmem>> -> memref<1x128xf32, #tpu.memory_space<vmem>>
        %get3A_354 = tpu.memref_squeeze %get3A_353 : memref<1x128xf32, #tpu.memory_space<vmem>> -> memref<128xf32, #tpu.memory_space<vmem>>
        %get3A_355 = arith.constant 48 : index
        %get3A_356 = tpu.vector_load %get3A_354[%get3A_355] {strides = array<i32>} : memref<128xf32, #tpu.memory_space<vmem>>, vector<16xf32>,
        %mul3A_357 = arith.mulf %get3A_351, %get3A_356 : vector<16xf32>
        %add3A_358 = arith.addf %add3A_346, %mul3A_357 : vector<16xf32>
        %get3A_359 = arith.constant 0 : i32
        %get3A_360 = tpu.memref_slice %arg11[%add3A_310, %get3A_359] : memref<128x128xf32, #tpu.memory_space<vmem>> -> memref<1x128xf32, #tpu.memory_space<vmem>>
        %get3A_361 = tpu.memref_squeeze %get3A_360 : memref<1x128xf32, #tpu.memory_space<vmem>> -> memref<128xf32, #tpu.memory_space<vmem>>
        %get3A_362 = arith.constant 64 : index
        %get3A_363 = tpu.vector_load %get3A_361[%get3A_362] {strides = array<i32>} : memref<128xf32, #tpu.memory_space<vmem>>, vector<16xf32>,
        %get3A_364 = arith.constant 0 : i32
        %get3A_365 = tpu.memref_slice %arg14[%add3A_311, %get3A_364] : memref<128x128xf32, #tpu.memory_space<vmem>> -> memref<1x128xf32, #tpu.memory_space<vmem>>
        %get3A_366 = tpu.memref_squeeze %get3A_365 : memref<1x128xf32, #tpu.memory_space<vmem>> -> memref<128xf32, #tpu.memory_space<vmem>>
        %get3A_367 = arith.constant 64 : index
        %get3A_368 = tpu.vector_load %get3A_366[%get3A_367] {strides = array<i32>} : memref<128xf32, #tpu.memory_space<vmem>>, vector<16xf32>,
        %mul3A_369 = arith.mulf %get3A_363, %get3A_368 : vector<16xf32>
        %add3A_370 = arith.addf %add3A_358, %mul3A_369 : vector<16xf32>
        %get3A_371 = arith.constant 0 : i32
        %get3A_372 = tpu.memref_slice %arg11[%add3A_310, %get3A_371] : memref<128x128xf32, #tpu.memory_space<vmem>> -> memref<1x128xf32, #tpu.memory_space<vmem>>
        %get3A_373 = tpu.memref_squeeze %get3A_372 : memref<1x128xf32, #tpu.memory_space<vmem>> -> memref<128xf32, #tpu.memory_space<vmem>>
        %get3A_374 = arith.constant 80 : index
        %get3A_375 = tpu.vector_load %get3A_373[%get3A_374] {strides = array<i32>} : memref<128xf32, #tpu.memory_space<vmem>>, vector<16xf32>,
        %get3A_376 = arith.constant 0 : i32
        %get3A_377 = tpu.memref_slice %arg14[%add3A_311, %get3A_376] : memref<128x128xf32, #tpu.memory_space<vmem>> -> memref<1x128xf32, #tpu.memory_space<vmem>>
        %get3A_378 = tpu.memref_squeeze %get3A_377 : memref<1x128xf32, #tpu.memory_space<vmem>> -> memref<128xf32, #tpu.memory_space<vmem>>
        %get3A_379 = arith.constant 80 : index
        %get3A_380 = tpu.vector_load %get3A_378[%get3A_379] {strides = array<i32>} : memref<128xf32, #tpu.memory_space<vmem>>, vector<16xf32>,
        %mul3A_381 = arith.mulf %get3A_375, %get3A_380 : vector<16xf32>
        %add3A_382 = arith.addf %add3A_370, %mul3A_381 : vector<16xf32>
        %get3A_383 = arith.constant 0 : i32
        %get3A_384 = tpu.memref_slice %arg11[%add3A_310, %get3A_383] : memref<128x128xf32, #tpu.memory_space<vmem>> -> memref<1x128xf32, #tpu.memory_space<vmem>>
        %get3A_385 = tpu.memref_squeeze %get3A_384 : memref<1x128xf32, #tpu.memory_space<vmem>> -> memref<128xf32, #tpu.memory_space<vmem>>
        %get3A_386 = arith.constant 96 : index
        %get3A_387 = tpu.vector_load %get3A_385[%get3A_386] {strides = array<i32>} : memref<128xf32, #tpu.memory_space<vmem>>, vector<16xf32>,
        %get3A_388 = arith.constant 0 : i32
        %get3A_389 = tpu.memref_slice %arg14[%add3A_311, %get3A_388] : memref<128x128xf32, #tpu.memory_space<vmem>> -> memref<1x128xf32, #tpu.memory_space<vmem>>
        %get3A_390 = tpu.memref_squeeze %get3A_389 : memref<1x128xf32, #tpu.memory_space<vmem>> -> memref<128xf32, #tpu.memory_space<vmem>>
        %get3A_391 = arith.constant 96 : index
        %get3A_392 = tpu.vector_load %get3A_390[%get3A_391] {strides = array<i32>} : memref<128xf32, #tpu.memory_space<vmem>>, vector<16xf32>,
        %mul3A_393 = arith.mulf %get3A_387, %get3A_392 : vector<16xf32>
        %add3A_394 = arith.addf %add3A_382, %mul3A_393 : vector<16xf32>
        %get3A_395 = arith.constant 0 : i32
        %get3A_396 = tpu.memref_slice %arg11[%add3A_310, %get3A_395] : memref<128x128xf32, #tpu.memory_space<vmem>> -> memref<1x128xf32, #tpu.memory_space<vmem>>
        %get3A_397 = tpu.memref_squeeze %get3A_396 : memref<1x128xf32, #tpu.memory_space<vmem>> -> memref<128xf32, #tpu.memory_space<vmem>>
        %get3A_398 = arith.constant 112 : index
        %get3A_399 = tpu.vector_load %get3A_397[%get3A_398] {strides = array<i32>} : memref<128xf32, #tpu.memory_space<vmem>>, vector<16xf32>,
        %get3A_400 = arith.constant 0 : i32
        %get3A_401 = tpu.memref_slice %arg14[%add3A_311, %get3A_400] : memref<128x128xf32, #tpu.memory_space<vmem>> -> memref<1x128xf32, #tpu.memory_space<vmem>>
        %get3A_402 = tpu.memref_squeeze %get3A_401 : memref<1x128xf32, #tpu.memory_space<vmem>> -> memref<128xf32, #tpu.memory_space<vmem>>
        %get3A_403 = arith.constant 112 : index
        %get3A_404 = tpu.vector_load %get3A_402[%get3A_403] {strides = array<i32>} : memref<128xf32, #tpu.memory_space<vmem>>, vector<16xf32>,
        %mul3A_405 = arith.mulf %get3A_399, %get3A_404 : vector<16xf32>
        %add3A_406 = arith.addf %add3A_394, %mul3A_405 : vector<16xf32>
        %eq3A_407 = vector.broadcast %scan3A_309 : i32 to vector<16xi32>
        %eq3A_408 = arith.cmpi eq, %iota3A, %eq3A_407 : vector<16xi32>
        %reduce_sum3A_409 = arith.constant true
        %reduce_sum3A_410 = vector.broadcast %reduce_sum3A_409 : i1 to vector<16xi1>
        %reduce_sum3A_411 = tpu.scan <sum>, %add3A_406 masked %reduce_sum3A_410 : vector<16xf32>, vector<16xi1> -> vector<16xf32>
        %reduce_sum3A_412 = vector.extract %reduce_sum3A_411[15] : f32 from vector<16xf32>
        %jit3A_413 = arith.constant 0.000000e+00 : f32
        %broadcast_in_dim3A_414 = vector.broadcast %reduce_sum3A_412 : f32 to vector<16xf32>
        %broadcast_in_dim3A_415 = vector.broadcast %jit3A_413 : f32 to vector<16xf32>
        %select_n3A_416 = arith.select %eq3A_408, %broadcast_in_dim3A_414, %broadcast_in_dim3A_415 : vector<16xi1>, vector<16xf32>
        %add3A_417 = arith.addf %add3A_307, %select_n3A_416 : vector<16xf32>
        scf.yield %add3A_417 : vector<16xf32>
      }
      %scan3A_198 = arith.constant 16 : i32
      %add3A_199 = arith.constant 384 : i32
      %add3A_200 = arith.addi %add3A_199, %mul3A_191 : i32
      %swap3A = arith.index_cast %add3A_200 : i32 to index
      %swap3A_201 = tpu.vector_load %arg17[%swap3A] {strides = array<i32>} : memref<512xf32, #tpu.memory_space<vmem>>, vector<16xf32>,
      tpu.vector_store %arg17[%swap3A], %scan3A_197 {strides = array<i32>} : memref<512xf32, #tpu.memory_space<vmem>>, vector<16xf32>,
      %scan3A_202 = arith.constant 0 : i32
      scf.yield %scan3A_202 : i32
    }
    %scan3A_163 = arith.constant 8 : i32
    "tpu.region"() ({
      %run_scoped3A = tpu.sem_alloc : memref<!tpu.dma_semaphore, #tpu.memory_space<semaphore_mem>>
      %dma_start3A_188 = tpu.memref_slice %arg6[%mul3A_2] : memref<16384xf32, #tpu.memory_space<hbm>> -> memref<512xf32, #tpu.memory_space<hbm>>
      %dma_start3A_189 = tpu.memref_slice %arg6[%mul3A_2] : memref<16384xf32, #tpu.memory_space<hbm>> -> memref<512xf32, #tpu.memory_space<hbm>>
      tpu.enqueue_dma source(%arg17 : memref<512xf32, #tpu.memory_space<vmem>>) target(%dma_start3A_189 : memref<512xf32, #tpu.memory_space<hbm>>) target_semaphore(%run_scoped3A : memref<!tpu.dma_semaphore, #tpu.memory_space<semaphore_mem>>)
      %dma_wait3A_190 = tpu.memref_slice %arg6[%mul3A_2] : memref<16384xf32, #tpu.memory_space<hbm>> -> memref<512xf32, #tpu.memory_space<hbm>>
      %dma_wait3A_191 = tpu.memref_slice %arg6[%mul3A_2] : memref<16384xf32, #tpu.memory_space<hbm>> -> memref<512xf32, #tpu.memory_space<hbm>>
      tpu.wait_dma2 semaphore(%run_scoped3A : memref<!tpu.dma_semaphore, #tpu.memory_space<semaphore_mem>>) src(%arg17 : memref<512xf32, #tpu.memory_space<vmem>>) dst(%dma_wait3A_191 : memref<512xf32, #tpu.memory_space<hbm>>)
      tpu.yield
    }) : () -> ()
    %dma_wait3A_164 = arith.constant 0 : i32
    %dma_wait3A_165 = tpu.memref_slice %arg7[%add3A_88, %dma_wait3A_164] : memref<16384x128xf32, #tpu.memory_space<hbm>> -> memref<128x128xf32, #tpu.memory_space<hbm>>
    %dma_wait3A_166 = arith.constant 0 : i32
    %dma_wait3A_167 = tpu.memref_slice %arg7[%add3A_88, %dma_wait3A_166] : memref<16384x128xf32, #tpu.memory_space<hbm>> -> memref<128x128xf32, #tpu.memory_space<hbm>>
    tpu.wait_dma2 semaphore(%arg22 : memref<!tpu.dma_semaphore, #tpu.memory_space<semaphore_mem>>) src(%arg12 : memref<128x128xf32, #tpu.memory_space<vmem>>) dst(%dma_wait3A_167 : memref<128x128xf32, #tpu.memory_space<hbm>>)
    %dma_wait3A_168 = arith.constant 0 : i32
    %dma_wait3A_169 = tpu.memref_slice %arg8[%add3A_94, %dma_wait3A_168] : memref<16384x128xf32, #tpu.memory_space<hbm>> -> memref<128x128xf32, #tpu.memory_space<hbm>>
    %dma_wait3A_170 = arith.constant 0 : i32
    %dma_wait3A_171 = tpu.memref_slice %arg8[%add3A_94, %dma_wait3A_170] : memref<16384x128xf32, #tpu.memory_space<hbm>> -> memref<128x128xf32, #tpu.memory_space<hbm>>
    tpu.wait_dma2 semaphore(%arg22 : memref<!tpu.dma_semaphore, #tpu.memory_space<semaphore_mem>>) src(%arg15 : memref<128x128xf32, #tpu.memory_space<vmem>>) dst(%dma_wait3A_171 : memref<128x128xf32, #tpu.memory_space<hbm>>)
    %dma_wait3A_172 = arith.constant 0 : i32
    %dma_wait3A_173 = tpu.memref_slice %arg7[%add3A_117, %dma_wait3A_172] : memref<16384x128xf32, #tpu.memory_space<hbm>> -> memref<128x128xf32, #tpu.memory_space<hbm>>
    %dma_wait3A_174 = arith.constant 0 : i32
    %dma_wait3A_175 = tpu.memref_slice %arg7[%add3A_117, %dma_wait3A_174] : memref<16384x128xf32, #tpu.memory_space<hbm>> -> memref<128x128xf32, #tpu.memory_space<hbm>>
    tpu.wait_dma2 semaphore(%arg23 : memref<!tpu.dma_semaphore, #tpu.memory_space<semaphore_mem>>) src(%arg13 : memref<128x128xf32, #tpu.memory_space<vmem>>) dst(%dma_wait3A_175 : memref<128x128xf32, #tpu.memory_space<hbm>>)
    %dma_wait3A_176 = arith.constant 0 : i32
    %dma_wait3A_177 = tpu.memref_slice %arg8[%add3A_123, %dma_wait3A_176] : memref<16384x128xf32, #tpu.memory_space<hbm>> -> memref<128x128xf32, #tpu.memory_space<hbm>>
    %dma_wait3A_178 = arith.constant 0 : i32
    %dma_wait3A_179 = tpu.memref_slice %arg8[%add3A_123, %dma_wait3A_178] : memref<16384x128xf32, #tpu.memory_space<hbm>> -> memref<128x128xf32, #tpu.memory_space<hbm>>
    tpu.wait_dma2 semaphore(%arg23 : memref<!tpu.dma_semaphore, #tpu.memory_space<semaphore_mem>>) src(%arg16 : memref<128x128xf32, #tpu.memory_space<vmem>>) dst(%dma_wait3A_179 : memref<128x128xf32, #tpu.memory_space<hbm>>)
    %dma_wait3A_180 = arith.constant 0 : i32
    %dma_wait3A_181 = tpu.memref_slice %arg7[%add3A_146, %dma_wait3A_180] : memref<16384x128xf32, #tpu.memory_space<hbm>> -> memref<128x128xf32, #tpu.memory_space<hbm>>
    %dma_wait3A_182 = arith.constant 0 : i32
    %dma_wait3A_183 = tpu.memref_slice %arg7[%add3A_146, %dma_wait3A_182] : memref<16384x128xf32, #tpu.memory_space<hbm>> -> memref<128x128xf32, #tpu.memory_space<hbm>>
    tpu.wait_dma2 semaphore(%arg21 : memref<!tpu.dma_semaphore, #tpu.memory_space<semaphore_mem>>) src(%arg11 : memref<128x128xf32, #tpu.memory_space<vmem>>) dst(%dma_wait3A_183 : memref<128x128xf32, #tpu.memory_space<hbm>>)
    %dma_wait3A_184 = arith.constant 0 : i32
    %dma_wait3A_185 = tpu.memref_slice %arg8[%add3A_152, %dma_wait3A_184] : memref<16384x128xf32, #tpu.memory_space<hbm>> -> memref<128x128xf32, #tpu.memory_space<hbm>>
    %dma_wait3A_186 = arith.constant 0 : i32
    %dma_wait3A_187 = tpu.memref_slice %arg8[%add3A_152, %dma_wait3A_186] : memref<16384x128xf32, #tpu.memory_space<hbm>> -> memref<128x128xf32, #tpu.memory_space<hbm>>
    tpu.wait_dma2 semaphore(%arg21 : memref<!tpu.dma_semaphore, #tpu.memory_space<semaphore_mem>>) src(%arg14 : memref<128x128xf32, #tpu.memory_space<vmem>>) dst(%dma_wait3A_187 : memref<128x128xf32, #tpu.memory_space<hbm>>)
    return
  }
}

</mosaic_0001>

<sc_bundles>
// kernel: kernel.3.cloned.1.call-start
scs
__scs_entry_jumppad:
0x0: {  	(pc) =	sbr.rel $0x88, $3  }
0x1: {  	(tag) =	ssettag $0x0;
	lr =	simm.s32 $0x1  }
0x2: {  	[smem:$0x3F9D] =	sst lr;
	_ =	strace $0xD0000000  }
0x3: {  	_ = 	snop  }
0x4: {  	_ = 	snop  }
0x5: {  	_ = 	snop  }
0x6: {  	_ = 	snop  }
0x7: {  	_ = 	snop  }
__scs_overlays_trampoline_lowered:
0x8: {  	[smem:$0x3FAC] =	sst s0  }
0x9: {  	[smem:$0x3FAD] =	sst s1  }
0xa: {  	[smem:$0x3FAE] =	sst s2  }
0xb: {  	[smem:$0x3FAF] =	sst s3  }
0xc: {  	[smem:$0x3FB0] =	sst s4  }
0xd: {  	[smem:$0x3FB1] =	sst s5  }
0xe: {  	[smem:$0x3FB2] =	sst s6  }
0xf: {  	[smem:$0x3FB3] =	sst s7  }
0x10: {  	[smem:$0x3FB4] =	sst s8  }
0x11: {  	[smem:$0x3FB5] =	sst s9;
	s0 =	simm.s32 @!p0 $0x0  }
0x12: {  	s1 =	sld [smem:$0x3F9B];
	s0 =	simm.s32 @p0 $0x1  }
0x13: {  	[smem:$0x3FB6] =	sst s0;
	s0 =	simm.s32 @!p1 $0x0  }
0x14: {  	s2 =	sld [smem:$0x3F9A];
	s0 =	simm.s32 @p1 $0x1  }
0x15: {  	[smem:$0x3FB7] =	sst s0;
	s0 =	simm.s32 @!p2 $0x0  }
0x16: {  	s3 =	sld [smem:$0x3FDB];
	s0 =	simm.s32 @p2 $0x1  }
0x17: {  	s4 =	simm.s32 $0x1BF5;
	[smem:$0x3FB9] =	sst s0  }
0x18: {  	s0 =	sld [smem:$0x3F9C];
	_ =	swait.ge [sflag:s4], $0x0  }
0x19: {  	s7 =	sld [smem:$0x3F9D]  }
0x1a: {  	s8 =	sadd.s32 $0xFFFFE003, lr  }
0x1b: {  	s9 =	sadd.s32 $0xFFFFFEF7, lr;
	s5 =	simm.s32 $0xFFFFFFFF;
	p2 =	slt.u32 s8, $0xFFFFF086  }
0x1c: {  	p1 =	slt.u32 s9, $0xF7A;
	s5 =	simm.s32 @!p2 $0x0  }
0x1d: {  	s5 =	simm.s32 @p1 $0x1;
	p0 =	seq.s32 s7, s2  }
0x1e: {  	s7 =	smul.u32 @!p0 $0xF7A, s2;
	p2 =	seq.s32 @!p0 s5, $0x0  }
0x1f: {  	s9 =	smul.u32 $0xF7A, s1;
	s8 =	simm.s32 @!p0 $0x1BF5;
	p2 =	por !p2, p0  }
0x20: {  	[sflag:s8] =	ssyncset.s32 @!p0 $0xFFFFF086;
	s6 =	sadd.s32 @!p0 s3, s7;
	s7 =	simm.s32 @!p0 $0x108  }
0x21: {  	s3 =	sadd.s32 s3, s9;
	s6 =	sadd.s32 @!p0 $0x88, s6;
	s7 =	simm.s32 @p2 $0x1082  }
0x22: {  	[simem:s7], [sflag:s8] =	dma.local @!p0 [hbm:s6], $0xF7A  }
0x23: {  	s9 =	sor.u32 $0xD0000000, s2;
	s6 =	simm.s32 $0x108;
	_ =	swait.ge @!p0 [sflag:s8], $0x0  }
0x24: {  	s3 =	sadd.s32 $0x88, s3;
	s6 =	simm.s32 @!p1 $0x1082;
	[sflag:s4] =	ssyncset.s32 $0xFFFFF086  }
0x25: {  	[simem:s6], [sflag:s4] =	dma.local [hbm:s3], $0xF7A  }
0x26: {  	[smem:$0x3F9D] =	sst s1;
	(tag) =	ssettag s2;
	_ =	strace s9  }
0x27: {  	s1 =	sld [smem:$0x3FAD]  }
0x28: {  	s2 =	sld [smem:$0x3FAE]  }
0x29: {  	s4 =	sld [smem:$0x3FB0]  }
0x2a: {  	p0 =	seq.s32 s5, $0x0;
	s5 =	sld [smem:$0x3FB1]  }
0x2b: {  	s6 =	sld [smem:$0x3FB2]  }
0x2c: {  	s7 =	sld [smem:$0x3FB3]  }
0x2d: {  	s3 =	simm.s32 $0x108;
	s8 =	sld [smem:$0x3FB4]  }
0x2e: {  	s3 =	simm.s32 @!p0 $0x1082;
	s9 =	sld [smem:$0x3FB5]  }
0x2f: {  	lr =	sadd.s32 s0, s3;
	s0 =	sld [smem:$0x3FAC]  }
0x30: {  	s3 =	sld [smem:$0x3FAF]  }
0x31: {  	[smem:$0x3FB8] =	sst s10  }
0x32: {  	s10 =	sld [smem:$0x3FB6];
	_ =	sdelay $0x3  }
0x33: {  	p0 =	seq.s32 s10, $0x1;
	s10 =	sld [smem:$0x3FB8];
	_ =	sdelay $0x3  }
0x34: {  	[smem:$0x3FB8] =	sst s10  }
0x35: {  	s10 =	sld [smem:$0x3FB7];
	_ =	sdelay $0x3  }
0x36: {  	p1 =	seq.s32 s10, $0x1;
	s10 =	sld [smem:$0x3FB8];
	_ =	sdelay $0x3  }
0x37: {  	[smem:$0x3FB8] =	sst s10  }
0x38: {  	s10 =	sld [smem:$0x3FB9]  }
0x39: {  	_ = 	snop;
	(pc) =	sbr.ind lr, $3  }
0x3a: {  	_ = 	snop  }
0x3b: {  	_ = 	snop  }
0x3c: {  	p2 =	seq.s32 s10, $0x1;
	s10 =	sld [smem:$0x3FB8]  }
0x3d: {  	_ =	shalt  }
0x3e: {  	_ =	shalt  }
0x3f: {  	_ =	shalt  }
0x40: {  	_ =	shalt  }
0x41: {  	_ =	shalt  }
0x42: {  	_ =	shalt  }
0x43: {  	_ =	shalt  }
0x44: {  	_ =	shalt  }
0x45: {  	_ =	shalt  }
0x46: {  	_ =	shalt  }
0x47: {  	_ =	shalt  }
0x48: {  	_ =	shalt  }
0x49: {  	_ =	shalt  }
0x4a: {  	_ =	shalt  }
0x4b: {  	_ =	shalt  }
0x4c: {  	_ =	shalt  }
0x4d: {  	_ =	shalt  }
0x4e: {  	_ =	shalt  }
0x4f: {  	_ =	shalt  }
0x50: {  	_ =	shalt  }
0x51: {  	_ =	shalt  }
0x52: {  	_ =	shalt  }
0x53: {  	_ =	shalt  }
0x54: {  	_ =	shalt  }
0x55: {  	_ =	shalt  }
0x56: {  	_ =	shalt  }
0x57: {  	_ =	shalt  }
0x58: {  	_ =	shalt  }
0x59: {  	_ =	shalt  }
0x5a: {  	_ =	shalt  }
0x5b: {  	_ =	shalt  }
0x5c: {  	_ =	shalt  }
0x5d: {  	_ =	shalt  }
0x5e: {  	_ =	shalt  }
0x5f: {  	_ =	shalt  }
0x60: {  	_ =	shalt  }
0x61: {  	_ =	shalt  }
0x62: {  	_ =	shalt  }
0x63: {  	_ =	shalt  }
0x64: {  	_ =	shalt  }
0x65: {  	_ =	shalt  }
0x66: {  	_ =	shalt  }
0x67: {  	_ =	shalt  }
0x68: {  	_ =	shalt  }
0x69: {  	_ =	shalt  }
0x6a: {  	_ =	shalt  }
0x6b: {  	_ =	shalt  }
0x6c: {  	_ =	shalt  }
0x6d: {  	_ =	shalt  }
0x6e: {  	_ =	shalt  }
0x6f: {  	_ =	shalt  }
0x70: {  	_ =	shalt  }
0x71: {  	_ =	shalt  }
0x72: {  	_ =	shalt  }
0x73: {  	_ =	shalt  }
0x74: {  	_ =	shalt  }
0x75: {  	_ =	shalt  }
0x76: {  	_ =	shalt  }
0x77: {  	_ =	shalt  }
0x78: {  	_ =	shalt  }
0x79: {  	_ =	shalt  }
0x7a: {  	_ =	shalt  }
0x7b: {  	_ =	shalt  }
0x7c: {  	_ =	shalt  }
0x7d: {  	_ =	shalt  }
0x7e: {  	_ =	shalt  }
0x7f: {  	_ =	shalt  }
0x80: {  	_ =	shalt  }
0x81: {  	_ =	shalt  }
0x82: {  	_ =	shalt  }
0x83: {  	_ =	shalt  }
0x84: {  	_ =	shalt  }
0x85: {  	_ =	shalt  }
0x86: {  	_ =	shalt  }
0x87: {  	_ =	shalt  }
.Lfunc_end0:
.L_simem_size_0:
called_computation_lowered:
.L_overlay_start_0:
0x88: {  	s2 =	sld [smem:$0x3FD9]  }
0x89: {  	s3 =	sld [smem:$0x3FFE];
	_ =	sdelay $0x1  }
0x8a: {  	s1 =	srdreg.scid  }
0x8b: {  	s0 =	sand.u32 $0x1, s1  }
0x8c: {  	s15 =	sshll.u32 s0, $0xA;
	s2 =	sadd.s32 s3, s2  }
0x8d: {  	s2 =	sadd.s32 s2, s15  }
0x8e: {  	[smem:$0x3FC4] =	sst s2  }
0x8f: {  	_ = 	snop  }
0x90: {  	s2 =	sld [smem:$0x3FC9]  }
0x91: {  	s16 =	sld [smem:$0x3FD0]  }
0x92: {  	s4 =	sld [smem:$0x3FC8]  }
0x93: {  	s5 =	sld [smem:$0x3FC7]  }
0x94: {  	s7 =	simm.s32 $0xA;
	s8 =	simm.s32 $0x10;
	s6 =	sld [smem:$0x3FC6]  }
0x95: {  	[smem:s8], [sflag:s7] =	dma.local [hbm:s16], $0x1  }
0x96: {  	_ =	swait.eq [sflag:s7], $0x1  }
0x97: {  	s17 =	sld [smem:$0x10];
	[sflag:s7] =	ssyncset.done $0x0  }
0x98: {  	s18 =	sld [smem:$0x11];
	[sflag:s7] =	ssyncadd.s32 $0xFFFFFFFF  }
0x99: {  	s19 =	sld [smem:$0x12];
	(tm) =	ssettm $0x1  }
0x9a: {  	s9 =	sld [smem:$0x3FFB];
	_ =	sdelay $0x3  }
0x9b: {  	_ =	strace s9  }
0x9c: {  	s9 =	sld [smem:$0x3FFC];
	_ =	sdelay $0x3  }
0x9d: {  	_ =	strace s9  }
0x9e: {  	s9 =	sld [smem:$0x3FFD];
	_ =	sdelay $0x3  }
0x9f: {  	_ =	strace s9  }
0xa0: {  	_ =	strace $0x8FFFFFFF  }
0xa1: {  	s20 =	sld [smem:$0x3FDB];
	_ =	sdelay $0x1  }
0xa2: {  	s10 =	simm.s32 $_scs_section_size  }
0xa3: {  	s11 =	simm.s32 $_size__tile_overlayer_lowered;
	s12 =	simm.s32 $_tile_overlayer_lowered  }
0xa4: {  	s23 =	simm.s32 $0x1BFF;
	s22 =	sshll.u32 s12, $0x1;
	s9 =	sadd.s32 s10, s20  }
0xa5: {  	s13 =	simm.s32 $0x0;
	s21 =	sshll.u32 s11, $0x1;
	s11 =	sadd.s32 s22, s9  }
0xa6: {  	[timem:s13], [sflag:s23] =	dma.local [hbm:s11], s21  }
0xa7: {  	_ =	swait.ge [sflag:s23], s21  }
0xa8: {  	s10 =	ssub.s32 $0x0, s21;
	[sflag:s23] =	ssyncset.done $0x0  }
0xa9: {  	[sflag:s23] =	ssyncadd.s32 s10;
	_ =	sdelay $0x1  }
0xaa: {  	s24 =	simm.s32 $0x1B8B  }
0xab: {  	_ =	swait.ge [sflag:s24], $0x1  }
0xac: {  	[sflag:s24] =	ssyncset.done $0x0  }
0xad: {  	s25 =	simm.s32 $0x1B8E;
	[sflag:s24] =	ssyncadd.s32 $0xFFFFFFFF  }
0xae: {  	s26 =	simm.s32 $execute0_lowered;
	[smem:$0x3FD2] =	sst s25  }
0xaf: {  	s10 =	sshll.u32 s26, $0x1;
	_ =	strace $0x80000046;
	[dreg:$0x1] =	wrdreg $0xFFFFFFFF  }
0xb0: {  	s28 =	simm.s32 $_size_execute0_lowered;
	s9 =	sadd.s32 s9, s10;
	[dreg:$0x0] =	wrdreg $0x0  }
0xb1: {  	s10 =	sshll.u32 s28, $0x1;
	[dreg:$0x2] =	wrdreg s9  }
0xb2: {  	[dreg:$0x3] =	wrdreg s10  }
0xb3: {  	[dreg:$0x4] =	wrdreg $0xC0  }
0xb4: {  	_ =	task [dreg:s13], $0x5FFFF  }
0xb5: {  	[dreg:$0x1] =	wrdreg $0xFFFFFFFF  }
0xb6: {  	[dreg:$0x0] =	wrdreg $0x60  }
0xb7: {  	[dreg:$0x2] =	wrdreg s2  }
0xb8: {  	[dreg:$0x3] =	wrdreg s4  }
0xb9: {  	[dreg:$0x4] =	wrdreg s5  }
0xba: {  	[dreg:$0x5] =	wrdreg s6  }
0xbb: {  	[dreg:$0x6] =	wrdreg s17  }
0xbc: {  	[dreg:$0x7] =	wrdreg s18  }
0xbd: {  	[dreg:$0x8] =	wrdreg s19  }
0xbe: {  	[dreg:$0x9] =	wrdreg $0x9  }
0xbf: {  	_ =	task.clear_ibuf [dreg:s13], $0xAFFFF;
	_ =	strace $0x90000046  }
0xc0: {  	s29 =	simm.s32 $0x9;
	_ =	strace $0x80000048  }
0xc1: {  	_ =	swait.ge [sflag:s29], $0x1  }
0xc2: {  	[sflag:s29] =	ssyncadd.s32 $0xFFFFFFFF  }
0xc3: {  	_ =	strace $0x90000048  }
0xc4: {  	_ =	sfence  }
0xc5: {  	s30 =	sld [smem:$0x0];
	_ =	sdelay $0x2  }
0xc6: {  	s31 =	sshll.u32 s1, $0xD;
	s1 =	sshrl.u32 s1, $0x2  }
0xc7: {  	s3 =	sand.u32 $0x4000, s31;
	s1 =	sadd.s32 s1, s30  }
0xc8: {  	s0 =	sor.u32 s3, s0;
	s1 =	sshll.u32 s1, $0x11  }
0xc9: {  	s0 =	sor.u32 s1, s0  }
0xca: {  	s0 =	sadd.s32 $0x8F2B, s0  }
0xcb: {  	[sflag:s0] =	ssyncadd.remote.s32 $0x1  }
0xcc: {  	_ =	sfence.sel $0xFFFF  }
0xcd: {  	[dreg:$0x0] =	wrdreg $0xFFFFFFFF;
	(pc) =	sbr.abs _section_cstart, $3  }
0xce: {  	[dreg:$0x1] =	wrdreg $0xFFFFFFFF  }
0xcf: {  	_ =	task.clear_ibuf [dreg:s13], $0x2FFFF;
	_ =	strace $0x9FFFFFFF  }
0xd0: {  	(tm) =	ssettm $0x7FFFFFFF  }
0xd1: {  	_ =	shalt  }
tec
execute0_lowered:
.L_overlay_start_1:
0x0: {  	(tag) =	ssettag $0x1  }
0x1: {  	s0 =	rddreg [dreg:$0x0]  }
0x2: {  	s3 =	rddreg [dreg:$0x1]  }
0x3: {  	s1 =	rddreg [dreg:$0x2]  }
0x4: {  	s2 =	rddreg [dreg:$0x3]  }
0x5: {  	s5 =	rddreg [dreg:$0x4]  }
0x6: {  	s6 =	rddreg [dreg:$0x5]  }
0x7: {  	s7 =	rddreg [dreg:$0x6];
	s4 =	srdreg.scid  }
0x8: {  	s9 =	stileid.u32;
	s17 =	simm.s32 $0x7;
	s19 =	simm.s32 $0x80  }
0x9: {  	s20 =	simm.s32 $0x400;
	s29 =	simm.s32 $0x4400;
	s30 =	simm.s32 $0x1  }
0xa: {  	s31 =	simm.s32 $0x4;
	s28 =	simm.s32 $0x0;
	s8 =	sand.u32 $0x1, s4  }
0xb: {  	s4 =	simm.s32 $0x0;
	s9 =	sshll.u32 s9, $0xA;
	s10 =	sshll.u32 s8, $0x9  }
0xc: {  	[smem:$0x7FF] =	sst s4;
	s8 =	ssub.s32 $0x2, s8;
	s9 =	sor.u32 s10, s9  }
0xd: {  	_ =	strace $0x80000047;
	s21 =	sshrl.u32 s8, $0x1;
	s15 =	sshrl.u32 s9, $0x3  }
0xe: {  	s8 =	ssub.s32 s8, s21;
	s22 =	sshll.u32 s9, $0x4;
	s0 =	sadd.s32 s0, s15  }
0xf: {  	s21 =	simm.s32 $0xC400;
	s3 =	sadd.s32 s3, s15;
	[dreg:$0x8] =	wrdreg s0  }
0x10: {  	s23 =	sadd.s32 s6, s22;
	s24 =	sor.u32 $0x800, s22;
	[dreg:$0x9] =	wrdreg s3  }
0x11: {  	s9 =	sadd.s32 s7, s22;
	s26 =	sor.u32 $0x1000, s22;
	[dreg:$0xa] =	wrdreg s23  }
0x12: {  	s15 =	sadd.s32 s5, s15;
	s16 =	smax.u32 s8, $0x1;
	[dreg:$0xb] =	wrdreg s9  }
0x13: {  	s25 =	sadd.s32 s6, s24;
	s10 =	sadd.s32 s7, s24;
	s11 =	sadd.s32 s6, s26  }
0x14: {  	s0 =	sor.u32 $0x1800, s22;
	s12 =	sadd.s32 s7, s26;
	s23 =	simm.s32 $0x2  }
0x15: {  	s3 =	simm.s32 $0x6;
	[dreg:$0xc] =	wrdreg s25;
	s13 =	sadd.s32 s6, s0  }
0x16: {  	v0 =	vlaneseq.u32;
	s14 =	sadd.s32 s7, s0;
	s25 =	simm.s32 $0x3;
	s0 =	simm.s32 $0x5  }
.LBB2_1:
0x17: {  	s5 =	rddreg [dreg:$0x8]  }
0x18: {  	[tilespmem:s4], [sflag:$0x7] =	stream.linear.gather [hbm4b:s5+s4], $0x200, $0x38;
	[tilespmem:$0x18600] =	vst v63  }
0x19: {  	_ =	swait.ge [sflag:s17], $0x200  }
0x1a: {  	[sflag:s17] =	ssyncset.done $0x0  }
0x1b: {  	s6 =	simm.s32 $0x200;
	s26 =	rddreg [dreg:$0x9];
	[sflag:s17] =	ssyncadd.s32 $0xFFFFFE00  }
0x1c: {  	[tilespmem:s6], [sflag:$0x7] =	stream.linear.gather [hbm4b:s26+s4], $0x200, $0x38;
	[tilespmem:$0x18600] =	vst v63  }
0x1d: {  	_ =	swait.ge [sflag:s17], $0x200  }
0x1e: {  	[sflag:s17] =	ssyncset.done $0x0  }
0x1f: {  	[sflag:s17] =	ssyncadd.s32 $0xFFFFFE00  }
0x20: {  	[tilespmem:s20], [sflag:$0x1] =	stream.indirect.gather [hbm4b:s1+s19], $0x80, s4, s19, $0xb8;
	[tilespmem:$0x18600] =	vst v63  }
0x21: {  	_ = 	snop  }
0x22: {  	[tilespmem:s21], [sflag:$0x1] =	stream.indirect.gather [hbm4b:s2+s19], $0x80, s6, s19, $0xb8;
	[tilespmem:$0x18600] =	vst v63  }
0x23: {  	_ = 	snop  }
0x24: {  	[tilespmem:s29], [sflag:$0x2] =	stream.indirect.gather [hbm4b:s1+s19], $0x80, s19, s19, $0xb8;
	[tilespmem:$0x18600] =	vst v63  }
0x25: {  	s7 =	simm.s32 $0x10400;
	s6 =	simm.s32 $0x280  }
0x26: {  	[tilespmem:s7], [sflag:$0x2] =	stream.indirect.gather [hbm4b:s2+s19], $0x80, s6, s19, $0xb8;
	[tilespmem:$0x18600] =	vst v63  }
0x27: {  	s8 =	simm.s32 $0x100;
	s9 =	simm.s32 $0x8400  }
0x28: {  	[tilespmem:s9], [sflag:$0x3] =	stream.indirect.gather [hbm4b:s1+s19], $0x80, s8, s19, $0xb8;
	[tilespmem:$0x18600] =	vst v63  }
0x29: {  	s18 =	simm.s32 $0x300;
	s22 =	simm.s32 $0x14400  }
0x2a: {  	[tilespmem:s22], [sflag:$0x3] =	stream.indirect.gather [hbm4b:s2+s19], $0x80, s18, s19, $0xb8;
	[tilespmem:$0x18600] =	vst v63  }
0x2b: {  	_ =	swait.ge [sflag:s30], $0x4000  }
0x2c: {  	[sflag:s30] =	ssyncset.done $0x0  }
0x2d: {  	[sflag:s30] =	ssyncadd.s32 $0xFFFFC000  }
0x2e: {  	_ =	swait.ge [sflag:s30], $0x4000  }
0x2f: {  	[sflag:s30] =	ssyncset.done $0x0  }
0x30: {  	s5 =	simm.s32 $0x480;
	s24 =	rddreg [dreg:$0xa];
	[sflag:s30] =	ssyncadd.s32 $0xFFFFC000  }
0x31: {  	[hbm4b:s24+s4] =	stream.linear.scatter [tilespmem:s20], [sflag:$0x4], $0x4000, $0x38;
	[tilespmem:$0x18600] =	vst v63  }
0x32: {  	s18 =	simm.s32 $0xC480;
	s22 =	simm.s32 $0x0;
	s26 =	rddreg [dreg:$0xb]  }
0x33: {  	[hbm4b:s26+s4] =	stream.linear.scatter [tilespmem:s21], [sflag:$0x4], $0x4000, $0x38;
	[tilespmem:$0x18600] =	vst v63  }
.LBB2_2:
0x34: {  	v4 =	vld [tilespmem:s5+$0x70]  }
0x35: {  	v5 =	vld [tilespmem:s18+$0x70]  }
0x36: {  	v1 =	vld [tilespmem:s5+$0x60]  }
0x37: {  	v3 =	vld [tilespmem:s18+$0x60]  }
0x38: {  	v2 =	vld [tilespmem:s5+$0x50]  }
0x39: {  	v6 =	vld [tilespmem:s18+$0x50]  }
0x3a: {  	v7 =	vld [tilespmem:s5+$0x40]  }
0x3b: {  	v8 =	vld [tilespmem:s18+$0x40]  }
0x3c: {  	v9 =	vld [tilespmem:s5+$0x30]  }
0x3d: {  	v10 =	vld [tilespmem:s18+$0x30]  }
0x3e: {  	v11 =	vld [tilespmem:s5+$0x20]  }
0x3f: {  	v12 =	vld [tilespmem:s18+$0x20]  }
0x40: {  	v13 =	vld [tilespmem:s5+$0x0]  }
0x41: {  	v14 =	vld [tilespmem:s18+$0x0]  }
0x42: {  	v15 =	vld [tilespmem:s5+$0x10]  }
0x43: {  	v16 =	vld [tilespmem:s18+$0x10]  }
0x44: {  	v17 =	vld [tilespmem:s5+$0xFFFFFF80]  }
0x45: {  	v18 =	vld [tilespmem:s18+$0xFFFFFF80]  }
0x46: {  	v19 =	vld [tilespmem:s5+$0xFFFFFF90]  }
0x47: {  	v20 =	vld [tilespmem:s18+$0xFFFFFF90]  }
0x48: {  	v21 =	vld [tilespmem:s5+$0xFFFFFFA0]  }
0x49: {  	v22 =	vld [tilespmem:s18+$0xFFFFFFA0]  }
0x4a: {  	v23 =	vld [tilespmem:s5+$0xFFFFFFB0]  }
0x4b: {  	v13 =	vmul.f32 v14, v13;
	v14 =	vmul.f32 v16, v15;
	v15 =	vld [tilespmem:s18+$0xFFFFFFB0]  }
0x4c: {  	v16 =	vmul.f32 v18, v17;
	v17 =	vmul.f32 v20, v19;
	v18 =	vld [tilespmem:s5+$0xFFFFFFC0]  }
0x4d: {  	v11 =	vmul.f32 v12, v11;
	v12 =	vld [tilespmem:s18+$0xFFFFFFC0];
	v13 =	vadd.f32 v14, v13  }
0x4e: {  	v9 =	vmul.f32 v10, v9;
	v10 =	vld [tilespmem:s18+$0xFFFFFFD0];
	v14 =	vadd.f32 v17, v16;
	v16 =	vmul.f32 v22, v21  }
0x4f: {  	v17 =	vld [tilespmem:s5+$0xFFFFFFD0];
	v11 =	vadd.f32 v11, v13  }
0x50: {  	v7 =	vmul.f32 v8, v7;
	v8 =	vld [tilespmem:s18+$0xFFFFFFE0];
	v13 =	vadd.f32 v16, v14;
	v14 =	vmul.f32 v15, v23  }
0x51: {  	v15 =	vld [tilespmem:s5+$0xFFFFFFE0];
	v9 =	vadd.f32 v9, v11  }
0x52: {  	v12 =	vmul.f32 v12, v18;
	v11 =	vadd.f32 v14, v13;
	v13 =	vld [tilespmem:s5+$0xFFFFFFF0]  }
0x53: {  	s24 =	sadd.s32 $0x100, s18;
	v6 =	vmul.f32 v6, v2;
	v7 =	vadd.f32 v7, v9;
	v9 =	vld [tilespmem:s18+$0xFFFFFFF0]  }
0x54: {  	s7 =	sadd.s32 $0x100, s5;
	v24 =	vld [tilespmem:s24+$0xFFFFFF90];
	v10 =	vmul.f32 v10, v17;
	v11 =	vadd.f32 v12, v11  }
0x55: {  	v2 =	vld [tilespmem:s7+$0x70];
	v6 =	vadd.f32 v6, v7;
	v7 =	vmul.f32 v3, v1  }
0x56: {  	v5 =	vmul.f32 v5, v4;
	v4 =	vld [tilespmem:s24+$0x60];
	v8 =	vmul.f32 v8, v15;
	v10 =	vadd.f32 v10, v11  }
0x57: {  	v20 =	vld [tilespmem:s7+$0x0];
	v7 =	vadd.f32 v7, v6  }
0x58: {  	v19 =	vld [tilespmem:s7+$0xFFFFFF90];
	v10 =	vadd.f32 v8, v10;
	v9 =	vmul.f32 v9, v13  }
0x59: {  	v22 =	vld [tilespmem:s24+$0x0];
	v5 =	vadd.f32 v5, v7  }
0x5a: {  	v21 =	vld [tilespmem:s7+$0x10];
	v11 =	vadd.f32 v9, v10  }
0x5b: {  	v23 =	vld [tilespmem:s24+$0x10];
	(xrf2) =	vadd.scan.msk.f32 $0xffff, v5  }
0x5c: {  	v18 =	vld [tilespmem:s24+$0xFFFFFF80];
	(xrf2) =	vadd.scan.msk.f32 $0xffff, v11  }
0x5d: {  	v14 =	vld [tilespmem:s24+$0x20]  }
0x5e: {  	v17 =	vld [tilespmem:s7+$0xFFFFFF80]  }
0x5f: {  	v1 =	vld [tilespmem:s24+$0x70]  }
0x60: {  	v3 =	vld [tilespmem:s7+$0x60]  }
0x61: {  	v6 =	vld [tilespmem:s7+$0x50]  }
0x62: {  	v8 =	vld [tilespmem:s7+$0x40]  }
0x63: {  	v13 =	vld [tilespmem:s7+$0x20]  }
0x64: {  	v7 =	vld [tilespmem:s24+$0x50]  }
0x65: {  	v9 =	vld [tilespmem:s24+$0x40];
	v12, _, _ =	vpop (xrf2)  }
0x66: {  	s6 =	sshll.u32 s22, $0x4;
	s9 =	simm.s32 $0x0;
	v10 =	vld [tilespmem:s7+$0x30];
	v15, _, _ =	vpop (xrf2)  }
0x67: {  	s8 =	simm.s32 $0x2;
	s26 =	simm.s32 $0x4;
	v16 =	vmov s9;
	s9 =	simm.s32 $0x1;
	v5 =	vimm.f32 $0.0e+00;
	v11 =	vld [tilespmem:s24+$0x30];
	v15 =	vbroadcast v15, $0xF  }
.LBB2_3:
0x68: {  	p0 =	slt.u32 s26, $0xE;
	v25 =	vld [tilespmem:s7+$0xFFFFFFA0];
	v20 =	vmul.f32 v22, v20;
	vm0 =	veq.s32 v16, v0;
	v16 =	vmov s9  }
0x69: {  	v21 =	vmul.f32 v23, v21;
	v12 =	vbroadcast v12, $0xF;
	v22 =	vld [tilespmem:s24+$0xFFFFFFA0];
	v15 =	vnsel vm0, $0x0, v15  }
0x6a: {  	vm0 =	veq.s32 v16, v0;
	v23 =	vld [tilespmem:s7+$0xFFFFFFB0];
	v5 =	vadd.f32 v15, v5  }
0x6b: {  	v13 =	vmul.f32 v14, v13;
	v16 =	vadd.f32 v21, v20;
	v12 =	vnsel vm0, $0x0, v12;
	v15 =	vld [tilespmem:s24+$0xFFFFFFB0]  }
0x6c: {  	v14 =	vmul.f32 v18, v17;
	v17 =	vmul.f32 v24, v19;
	v18 =	vld [tilespmem:s7+$0xFFFFFFC0];
	v5 =	vadd.f32 v12, v5  }
0x6d: {  	v10 =	vmul.f32 v11, v10;
	v13 =	vadd.f32 v13, v16;
	v12 =	vld [tilespmem:s24+$0xFFFFFFC0]  }
0x6e: {  	v11 =	vadd.f32 v17, v14;
	v14 =	vmul.f32 v22, v25;
	v16 =	vld [tilespmem:s7+$0xFFFFFFD0]  }
0x6f: {  	v8 =	vmul.f32 v9, v8;
	v10 =	vadd.f32 v10, v13;
	v17 =	vld [tilespmem:s24+$0xFFFFFFD0]  }
0x70: {  	v9 =	vadd.f32 v14, v11;
	v11 =	vmul.f32 v15, v23;
	v13 =	vld [tilespmem:s7+$0xFFFFFFE0]  }
0x71: {  	v6 =	vmul.f32 v7, v6;
	v8 =	vadd.f32 v8, v10;
	v14 =	vld [tilespmem:s24+$0xFFFFFFE0]  }
0x72: {  	v7 =	vadd.f32 v11, v9;
	v9 =	vmul.f32 v12, v18;
	v10 =	vld [tilespmem:s7+$0xFFFFFFF0]  }
0x73: {  	v3 =	vmul.f32 v4, v3;
	v6 =	vadd.f32 v6, v8;
	s7 =	sadd.s32 $0x100, s7;
	v11 =	vld [tilespmem:s24+$0xFFFFFFF0]  }
0x74: {  	s24 =	sadd.s32 $0x100, s24;
	v8 =	vld [tilespmem:s7+$0x70];
	v4 =	vadd.f32 v9, v7;
	v7 =	vmul.f32 v17, v16  }
0x75: {  	v2 =	vmul.f32 v1, v2;
	v6 =	vadd.f32 v3, v6;
	v1 =	vld [tilespmem:s24+$0x70]  }
0x76: {  	v3 =	vld [tilespmem:s7+$0x60];
	v7 =	vadd.f32 v7, v4;
	v9 =	vmul.f32 v14, v13  }
0x77: {  	v12 =	vadd.f32 v2, v6;
	v4 =	vld [tilespmem:s24+$0x60]  }
0x78: {  	v6 =	vld [tilespmem:s7+$0x50];
	v9 =	vadd.f32 v9, v7;
	v10 =	vmul.f32 v11, v10  }
0x79: {  	v7 =	vld [tilespmem:s24+$0x50];
	(xrf2) =	vadd.scan.msk.f32 $0xffff, v12;
	v2 =	vmov v8  }
0x7a: {  	v8 =	vld [tilespmem:s7+$0x40];
	v11 =	vadd.f32 v10, v9  }
0x7b: {  	v9 =	vld [tilespmem:s24+$0x40]  }
0x7c: {  	v10 =	vld [tilespmem:s7+$0x30];
	(xrf2) =	vadd.scan.msk.f32 $0xffff, v11  }
0x7d: {  	v11 =	vld [tilespmem:s24+$0x30]  }
0x7e: {  	v13 =	vld [tilespmem:s7+$0x20]  }
0x7f: {  	v14 =	vld [tilespmem:s24+$0x20]  }
0x80: {  	v20 =	vld [tilespmem:s7+$0x0]  }
0x81: {  	v22 =	vld [tilespmem:s24+$0x0]  }
0x82: {  	v21 =	vld [tilespmem:s7+$0x10]  }
.Ltmp0:
0x83: {  	v23 =	vld [tilespmem:s24+$0x10];
	v12, _, _ =	vpop (xrf2);
	(pc) =	sbr.rel @p0 .LBB2_3-.Ltmp0, $4  }
0x84: {  	v17 =	vld [tilespmem:s7+$0xFFFFFF80]  }
0x85: {  	v18 =	vld [tilespmem:s24+$0xFFFFFF80]  }
0x86: {  	v19 =	vld [tilespmem:s7+$0xFFFFFF90];
	v15, _, _ =	vpop (xrf2)  }
0x87: {  	s9 =	sadd.s32 $0x1, s8;
	v16 =	vmov s8;
	s8 =	smov.u32 s26;
	s26 =	sadd.s32 $0x2, s26;
	v24 =	vld [tilespmem:s24+$0xFFFFFF90];
	v15 =	vbroadcast v15, $0xF  }
0x88: {  	v25 =	vld [tilespmem:s7+$0xFFFFFFA0]  }
0x89: {  	v26 =	vld [tilespmem:s24+$0xFFFFFFA0]  }
0x8a: {  	v27 =	vld [tilespmem:s7+$0xFFFFFFB0]  }
0x8b: {  	v20 =	vmul.f32 v22, v20;
	v21 =	vmul.f32 v23, v21;
	v45 =	vld [tilespmem:s24+$0xFFFFFFB0]  }
0x8c: {  	v47 =	vld [tilespmem:s7+$0xFFFFFFC0];
	v17 =	vmul.f32 v18, v17;
	v46 =	vmul.f32 v24, v19  }
0x8d: {  	v13 =	vmul.f32 v14, v13;
	v48 =	vld [tilespmem:s24+$0xFFFFFFC0];
	v20 =	vadd.f32 v21, v20  }
0x8e: {  	v50 =	vld [tilespmem:s7+$0xFFFFFFD0];
	v49 =	vmul.f32 v26, v25;
	v17 =	vadd.f32 v46, v17  }
0x8f: {  	v10 =	vmul.f32 v11, v10;
	v51 =	vld [tilespmem:s24+$0xFFFFFFD0];
	v13 =	vadd.f32 v13, v20  }
0x90: {  	v53 =	vld [tilespmem:s7+$0xFFFFFFE0];
	v52 =	vmul.f32 v45, v27;
	v17 =	vadd.f32 v49, v17  }
0x91: {  	v8 =	vmul.f32 v9, v8;
	v54 =	vld [tilespmem:s24+$0xFFFFFFE0];
	v10 =	vadd.f32 v10, v13  }
0x92: {  	v56 =	vld [tilespmem:s7+$0xFFFFFFF0];
	v14 =	vmul.f32 v48, v47;
	v55 =	vadd.f32 v52, v17  }
0x93: {  	v6 =	vmul.f32 v7, v6;
	v57 =	vld [tilespmem:s24+$0xFFFFFFF0];
	v8 =	vadd.f32 v8, v10  }
0x94: {  	v11 =	vmul.f32 v51, v50;
	v58 =	vadd.f32 v14, v55  }
0x95: {  	v3 =	vmul.f32 v4, v3;
	v6 =	vadd.f32 v6, v8  }
0x96: {  	v60 =	vmul.f32 v54, v53;
	v59 =	vadd.f32 v11, v58  }
0x97: {  	v1 =	vmul.f32 v1, v2;
	v3 =	vadd.f32 v3, v6  }
0x98: {  	v61 =	vmul.f32 v57, v56;
	v2 =	vadd.f32 v60, v59  }
0x99: {  	v1 =	vadd.f32 v1, v3  }
0x9a: {  	v2 =	vadd.f32 v61, v2  }
0x9b: {  	(xrf2) =	vadd.scan.msk.f32 $0xffff, v1  }
0x9c: {  	(xrf2) =	vadd.scan.msk.f32 $0xffff, v2;
	_ =	sdelay $0x6  }
0x9d: {  	v1 =	vmov s9  }
0x9e: {  	vm0 =	veq.s32 v16, v0  }
0x9f: {  	v3 =	vbroadcast v12, $0xF;
	v2 =	vnsel vm0, $0x0, v15;
	v62, _, _ =	vpop (xrf2)  }
0xa0: {  	vm13 =	veq.s32 v1, v0;
	v2 =	vadd.f32 v2, v5;
	v1, _, _ =	vpop (xrf2)  }
0xa1: {  	v63 =	vmov s8;
	v3 =	vnsel vm13, $0x0, v3;
	v1 =	vbroadcast v1, $0xF  }
0xa2: {  	s26 =	sadd.s32 $0x1, s8;
	s22 =	sadd.s32 $0x1, s22;
	vm14 =	veq.s32 v63, v0;
	v2 =	vadd.f32 v3, v2  }
0xa3: {  	p0 =	sne.s32 s22, $0x8;
	v3 =	vmov s26;
	v4 =	vbroadcast v62, $0xF;
	v1 =	vnsel vm14, $0x0, v1  }
.Ltmp1:
0xa4: {  	vm15 =	veq.s32 v3, v0;
	v1 =	vadd.f32 v1, v2;
	(pc) =	sbr.rel @p0 .LBB2_2-.Ltmp1, $3  }
0xa5: {  	v2 =	vnsel vm15, $0x0, v4  }
0xa6: {  	v1 =	vadd.f32 v2, v1;
	_ =	sdelay $0x1  }
0xa7: {  	s18 =	sadd.s32 $0x800, s18;
	s5 =	sadd.s32 $0x800, s5;
	[tilespmem:s6+$0x18400] =	vst v1  }
0xa8: {  	_ =	swait.ge [sflag:s31], $0x4000  }
0xa9: {  	[sflag:s31] =	ssyncset.done $0x0  }
0xaa: {  	[sflag:s31] =	ssyncadd.s32 $0xFFFFC000  }
0xab: {  	_ =	swait.ge [sflag:s31], $0x4000  }
0xac: {  	[sflag:s31] =	ssyncset.done $0x0  }
0xad: {  	s5 =	simm.s32 $0x180;
	[sflag:s31] =	ssyncadd.s32 $0xFFFFC000  }
0xae: {  	[tilespmem:s20], [sflag:$0x1] =	stream.indirect.gather [hbm4b:s1+s19], $0x80, s5, s19, $0xb8;
	[tilespmem:$0x18600] =	vst v63  }
0xaf: {  	s24 =	simm.s32 $0x380  }
0xb0: {  	[tilespmem:s21], [sflag:$0x1] =	stream.indirect.gather [hbm4b:s2+s19], $0x80, s24, s19, $0xb8;
	[tilespmem:$0x18600] =	vst v63  }
0xb1: {  	_ =	swait.ge [sflag:s23], $0x4000  }
0xb2: {  	[sflag:s23] =	ssyncset.done $0x0  }
0xb3: {  	[sflag:s23] =	ssyncadd.s32 $0xFFFFC000  }
0xb4: {  	_ =	swait.ge [sflag:s23], $0x4000  }
0xb5: {  	s18 =	simm.s32 $0x0;
	[sflag:s23] =	ssyncset.done $0x0  }
0xb6: {  	s22 =	simm.s32 $0x4480;
	s26 =	rddreg [dreg:$0xc];
	[sflag:s23] =	ssyncadd.s32 $0xFFFFC000  }
0xb7: {  	[hbm4b:s26+s18] =	stream.linear.scatter [tilespmem:s29], [sflag:$0x5], $0x4000, $0x38;
	[tilespmem:$0x18600] =	vst v63  }
0xb8: {  	s6 =	simm.s32 $0x0;
	s5 =	simm.s32 $0x10480;
	s29 =	simm.s32 $0x10400  }
0xb9: {  	[hbm4b:s10+s18] =	stream.linear.scatter [tilespmem:s29], [sflag:$0x5], $0x4000, $0x38;
	[tilespmem:$0x18600] =	vst v63  }
.LBB2_6:
0xba: {  	v4 =	vld [tilespmem:s22+$0x70]  }
0xbb: {  	v5 =	vld [tilespmem:s5+$0x70]  }
0xbc: {  	v1 =	vld [tilespmem:s22+$0x60]  }
0xbd: {  	v3 =	vld [tilespmem:s5+$0x60]  }
0xbe: {  	v2 =	vld [tilespmem:s22+$0x50]  }
0xbf: {  	v6 =	vld [tilespmem:s5+$0x50]  }
0xc0: {  	v7 =	vld [tilespmem:s22+$0x40]  }
0xc1: {  	v8 =	vld [tilespmem:s5+$0x40]  }
0xc2: {  	v9 =	vld [tilespmem:s22+$0x30]  }
0xc3: {  	v10 =	vld [tilespmem:s5+$0x30]  }
0xc4: {  	v11 =	vld [tilespmem:s22+$0x20]  }
0xc5: {  	v12 =	vld [tilespmem:s5+$0x20]  }
0xc6: {  	v13 =	vld [tilespmem:s22+$0x0]  }
0xc7: {  	v14 =	vld [tilespmem:s5+$0x0]  }
0xc8: {  	v15 =	vld [tilespmem:s22+$0x10]  }
0xc9: {  	v16 =	vld [tilespmem:s5+$0x10]  }
0xca: {  	v17 =	vld [tilespmem:s22+$0xFFFFFF80]  }
0xcb: {  	v18 =	vld [tilespmem:s5+$0xFFFFFF80]  }
0xcc: {  	v19 =	vld [tilespmem:s22+$0xFFFFFF90]  }
0xcd: {  	v20 =	vld [tilespmem:s5+$0xFFFFFF90]  }
0xce: {  	v21 =	vld [tilespmem:s22+$0xFFFFFFA0]  }
0xcf: {  	v22 =	vld [tilespmem:s5+$0xFFFFFFA0]  }
0xd0: {  	v23 =	vld [tilespmem:s22+$0xFFFFFFB0]  }
0xd1: {  	v13 =	vmul.f32 v14, v13;
	v14 =	vmul.f32 v16, v15;
	v15 =	vld [tilespmem:s5+$0xFFFFFFB0]  }
0xd2: {  	v16 =	vmul.f32 v18, v17;
	v17 =	vmul.f32 v20, v19;
	v18 =	vld [tilespmem:s22+$0xFFFFFFC0]  }
0xd3: {  	v11 =	vmul.f32 v12, v11;
	v12 =	vld [tilespmem:s5+$0xFFFFFFC0];
	v13 =	vadd.f32 v14, v13  }
0xd4: {  	v9 =	vmul.f32 v10, v9;
	v10 =	vld [tilespmem:s5+$0xFFFFFFD0];
	v14 =	vadd.f32 v17, v16;
	v16 =	vmul.f32 v22, v21  }
0xd5: {  	v17 =	vld [tilespmem:s22+$0xFFFFFFD0];
	v11 =	vadd.f32 v11, v13  }
0xd6: {  	v7 =	vmul.f32 v8, v7;
	v8 =	vld [tilespmem:s5+$0xFFFFFFE0];
	v13 =	vadd.f32 v16, v14;
	v14 =	vmul.f32 v15, v23  }
0xd7: {  	v15 =	vld [tilespmem:s22+$0xFFFFFFE0];
	v9 =	vadd.f32 v9, v11  }
0xd8: {  	v12 =	vmul.f32 v12, v18;
	v11 =	vadd.f32 v14, v13;
	v13 =	vld [tilespmem:s22+$0xFFFFFFF0]  }
0xd9: {  	s8 =	sadd.s32 $0x100, s5;
	v6 =	vmul.f32 v6, v2;
	v7 =	vadd.f32 v7, v9;
	v9 =	vld [tilespmem:s5+$0xFFFFFFF0]  }
0xda: {  	s24 =	sadd.s32 $0x100, s22;
	v24 =	vld [tilespmem:s8+$0xFFFFFF90];
	v10 =	vmul.f32 v10, v17;
	v11 =	vadd.f32 v12, v11  }
0xdb: {  	v2 =	vld [tilespmem:s24+$0x70];
	v6 =	vadd.f32 v6, v7;
	v7 =	vmul.f32 v3, v1  }
0xdc: {  	v5 =	vmul.f32 v5, v4;
	v4 =	vld [tilespmem:s8+$0x60];
	v8 =	vmul.f32 v8, v15;
	v10 =	vadd.f32 v10, v11  }
0xdd: {  	v20 =	vld [tilespmem:s24+$0x0];
	v7 =	vadd.f32 v7, v6  }
0xde: {  	v19 =	vld [tilespmem:s24+$0xFFFFFF90];
	v10 =	vadd.f32 v8, v10;
	v9 =	vmul.f32 v9, v13  }
0xdf: {  	v22 =	vld [tilespmem:s8+$0x0];
	v5 =	vadd.f32 v5, v7  }
0xe0: {  	v21 =	vld [tilespmem:s24+$0x10];
	v11 =	vadd.f32 v9, v10  }
0xe1: {  	v23 =	vld [tilespmem:s8+$0x10];
	(xrf2) =	vadd.scan.msk.f32 $0xffff, v5  }
0xe2: {  	v18 =	vld [tilespmem:s8+$0xFFFFFF80];
	(xrf2) =	vadd.scan.msk.f32 $0xffff, v11  }
0xe3: {  	v14 =	vld [tilespmem:s8+$0x20]  }
0xe4: {  	v17 =	vld [tilespmem:s24+$0xFFFFFF80]  }
0xe5: {  	v1 =	vld [tilespmem:s8+$0x70]  }
0xe6: {  	v3 =	vld [tilespmem:s24+$0x60]  }
0xe7: {  	v6 =	vld [tilespmem:s24+$0x50]  }
0xe8: {  	v8 =	vld [tilespmem:s24+$0x40]  }
0xe9: {  	v13 =	vld [tilespmem:s24+$0x20]  }
0xea: {  	v7 =	vld [tilespmem:s8+$0x50]  }
0xeb: {  	v9 =	vld [tilespmem:s8+$0x40];
	v12, _, _ =	vpop (xrf2)  }
0xec: {  	s7 =	sshll.u32 s6, $0x4;
	v10 =	vld [tilespmem:s24+$0x30];
	v15, _, _ =	vpop (xrf2)  }
0xed: {  	s26 =	simm.s32 $0x2;
	s9 =	simm.s32 $0x4;
	s29 =	simm.s32 $0x1;
	v16 =	vmov s18;
	v5 =	vimm.f32 $0.0e+00;
	v11 =	vld [tilespmem:s8+$0x30];
	v15 =	vbroadcast v15, $0xF  }
.LBB2_7:
0xee: {  	p0 =	slt.u32 s9, $0xE;
	v25 =	vld [tilespmem:s24+$0xFFFFFFA0];
	v20 =	vmul.f32 v22, v20;
	vm0 =	veq.s32 v16, v0;
	v16 =	vmov s29  }
0xef: {  	v21 =	vmul.f32 v23, v21;
	v12 =	vbroadcast v12, $0xF;
	v22 =	vld [tilespmem:s8+$0xFFFFFFA0];
	v15 =	vnsel vm0, $0x0, v15  }
0xf0: {  	vm0 =	veq.s32 v16, v0;
	v23 =	vld [tilespmem:s24+$0xFFFFFFB0];
	v5 =	vadd.f32 v15, v5  }
0xf1: {  	v13 =	vmul.f32 v14, v13;
	v16 =	vadd.f32 v21, v20;
	v12 =	vnsel vm0, $0x0, v12;
	v15 =	vld [tilespmem:s8+$0xFFFFFFB0]  }
0xf2: {  	v14 =	vmul.f32 v18, v17;
	v17 =	vmul.f32 v24, v19;
	v18 =	vld [tilespmem:s24+$0xFFFFFFC0];
	v5 =	vadd.f32 v12, v5  }
0xf3: {  	v10 =	vmul.f32 v11, v10;
	v13 =	vadd.f32 v13, v16;
	v12 =	vld [tilespmem:s8+$0xFFFFFFC0]  }
0xf4: {  	v11 =	vadd.f32 v17, v14;
	v14 =	vmul.f32 v22, v25;
	v16 =	vld [tilespmem:s24+$0xFFFFFFD0]  }
0xf5: {  	v8 =	vmul.f32 v9, v8;
	v10 =	vadd.f32 v10, v13;
	v17 =	vld [tilespmem:s8+$0xFFFFFFD0]  }
0xf6: {  	v9 =	vadd.f32 v14, v11;
	v11 =	vmul.f32 v15, v23;
	v13 =	vld [tilespmem:s24+$0xFFFFFFE0]  }
0xf7: {  	v6 =	vmul.f32 v7, v6;
	v8 =	vadd.f32 v8, v10;
	v14 =	vld [tilespmem:s8+$0xFFFFFFE0]  }
0xf8: {  	v7 =	vadd.f32 v11, v9;
	v9 =	vmul.f32 v12, v18;
	v10 =	vld [tilespmem:s24+$0xFFFFFFF0]  }
0xf9: {  	v3 =	vmul.f32 v4, v3;
	v6 =	vadd.f32 v6, v8;
	s24 =	sadd.s32 $0x100, s24;
	v11 =	vld [tilespmem:s8+$0xFFFFFFF0]  }
0xfa: {  	s8 =	sadd.s32 $0x100, s8;
	v8 =	vld [tilespmem:s24+$0x70];
	v4 =	vadd.f32 v9, v7;
	v7 =	vmul.f32 v17, v16  }
0xfb: {  	v2 =	vmul.f32 v1, v2;
	v6 =	vadd.f32 v3, v6;
	v1 =	vld [tilespmem:s8+$0x70]  }
0xfc: {  	v3 =	vld [tilespmem:s24+$0x60];
	v7 =	vadd.f32 v7, v4;
	v9 =	vmul.f32 v14, v13  }
0xfd: {  	v12 =	vadd.f32 v2, v6;
	v4 =	vld [tilespmem:s8+$0x60]  }
0xfe: {  	v6 =	vld [tilespmem:s24+$0x50];
	v9 =	vadd.f32 v9, v7;
	v10 =	vmul.f32 v11, v10  }
0xff: {  	v7 =	vld [tilespmem:s8+$0x50];
	(xrf2) =	vadd.scan.msk.f32 $0xffff, v12;
	v2 =	vmov v8  }
0x100: {  	v8 =	vld [tilespmem:s24+$0x40];
	v11 =	vadd.f32 v10, v9  }
0x101: {  	v9 =	vld [tilespmem:s8+$0x40]  }
0x102: {  	v10 =	vld [tilespmem:s24+$0x30];
	(xrf2) =	vadd.scan.msk.f32 $0xffff, v11  }
0x103: {  	v11 =	vld [tilespmem:s8+$0x30]  }
0x104: {  	v13 =	vld [tilespmem:s24+$0x20]  }
0x105: {  	v14 =	vld [tilespmem:s8+$0x20]  }
0x106: {  	v20 =	vld [tilespmem:s24+$0x0]  }
0x107: {  	v22 =	vld [tilespmem:s8+$0x0]  }
0x108: {  	v21 =	vld [tilespmem:s24+$0x10]  }
.Ltmp2:
0x109: {  	v23 =	vld [tilespmem:s8+$0x10];
	v12, _, _ =	vpop (xrf2);
	(pc) =	sbr.rel @p0 .LBB2_7-.Ltmp2, $4  }
0x10a: {  	v17 =	vld [tilespmem:s24+$0xFFFFFF80]  }
0x10b: {  	v18 =	vld [tilespmem:s8+$0xFFFFFF80]  }
0x10c: {  	v19 =	vld [tilespmem:s24+$0xFFFFFF90];
	v15, _, _ =	vpop (xrf2)  }
0x10d: {  	s29 =	sadd.s32 $0x1, s26;
	v16 =	vmov s26;
	s26 =	smov.u32 s9;
	s9 =	sadd.s32 $0x2, s9;
	v24 =	vld [tilespmem:s8+$0xFFFFFF90];
	v15 =	vbroadcast v15, $0xF  }
0x10e: {  	v25 =	vld [tilespmem:s24+$0xFFFFFFA0]  }
0x10f: {  	v26 =	vld [tilespmem:s8+$0xFFFFFFA0]  }
0x110: {  	v27 =	vld [tilespmem:s24+$0xFFFFFFB0]  }
0x111: {  	v20 =	vmul.f32 v22, v20;
	v21 =	vmul.f32 v23, v21;
	v45 =	vld [tilespmem:s8+$0xFFFFFFB0]  }
0x112: {  	v47 =	vld [tilespmem:s24+$0xFFFFFFC0];
	v17 =	vmul.f32 v18, v17;
	v46 =	vmul.f32 v24, v19  }
0x113: {  	v13 =	vmul.f32 v14, v13;
	v48 =	vld [tilespmem:s8+$0xFFFFFFC0];
	v20 =	vadd.f32 v21, v20  }
0x114: {  	v50 =	vld [tilespmem:s24+$0xFFFFFFD0];
	v49 =	vmul.f32 v26, v25;
	v17 =	vadd.f32 v46, v17  }
0x115: {  	v10 =	vmul.f32 v11, v10;
	v51 =	vld [tilespmem:s8+$0xFFFFFFD0];
	v13 =	vadd.f32 v13, v20  }
0x116: {  	v53 =	vld [tilespmem:s24+$0xFFFFFFE0];
	v52 =	vmul.f32 v45, v27;
	v17 =	vadd.f32 v49, v17  }
0x117: {  	v8 =	vmul.f32 v9, v8;
	v54 =	vld [tilespmem:s8+$0xFFFFFFE0];
	v10 =	vadd.f32 v10, v13  }
0x118: {  	v56 =	vld [tilespmem:s24+$0xFFFFFFF0];
	v14 =	vmul.f32 v48, v47;
	v55 =	vadd.f32 v52, v17  }
0x119: {  	v6 =	vmul.f32 v7, v6;
	v57 =	vld [tilespmem:s8+$0xFFFFFFF0];
	v8 =	vadd.f32 v8, v10  }
0x11a: {  	v11 =	vmul.f32 v51, v50;
	v58 =	vadd.f32 v14, v55  }
0x11b: {  	v3 =	vmul.f32 v4, v3;
	v6 =	vadd.f32 v6, v8  }
0x11c: {  	v60 =	vmul.f32 v54, v53;
	v59 =	vadd.f32 v11, v58  }
0x11d: {  	v1 =	vmul.f32 v1, v2;
	v3 =	vadd.f32 v3, v6  }
0x11e: {  	v61 =	vmul.f32 v57, v56;
	v2 =	vadd.f32 v60, v59  }
0x11f: {  	v1 =	vadd.f32 v1, v3  }
0x120: {  	v2 =	vadd.f32 v61, v2  }
0x121: {  	(xrf2) =	vadd.scan.msk.f32 $0xffff, v1  }
0x122: {  	(xrf2) =	vadd.scan.msk.f32 $0xffff, v2;
	_ =	sdelay $0x6  }
0x123: {  	v1 =	vmov s29  }
0x124: {  	vm0 =	veq.s32 v16, v0  }
0x125: {  	v3 =	vbroadcast v12, $0xF;
	v2 =	vnsel vm0, $0x0, v15;
	v62, _, _ =	vpop (xrf2)  }
0x126: {  	vm13 =	veq.s32 v1, v0;
	v2 =	vadd.f32 v2, v5;
	v1, _, _ =	vpop (xrf2)  }
0x127: {  	v63 =	vmov s26;
	v3 =	vnsel vm13, $0x0, v3;
	v1 =	vbroadcast v1, $0xF  }
0x128: {  	s6 =	sadd.s32 $0x1, s6;
	vm14 =	veq.s32 v63, v0;
	s29 =	sadd.s32 $0x1, s26;
	v2 =	vadd.f32 v3, v2  }
0x129: {  	p0 =	sne.s32 s6, $0x8;
	v3 =	vmov s29;
	v4 =	vbroadcast v62, $0xF;
	v1 =	vnsel vm14, $0x0, v1  }
.Ltmp3:
0x12a: {  	vm15 =	veq.s32 v3, v0;
	v1 =	vadd.f32 v1, v2;
	(pc) =	sbr.rel @p0 .LBB2_6-.Ltmp3, $3  }
0x12b: {  	v2 =	vnsel vm15, $0x0, v4  }
0x12c: {  	v1 =	vadd.f32 v2, v1;
	_ =	sdelay $0x1  }
0x12d: {  	s5 =	sadd.s32 $0x800, s5;
	s22 =	sadd.s32 $0x800, s22;
	[tilespmem:s7+$0x18480] =	vst v1  }
0x12e: {  	_ =	swait.ge [sflag:s25], $0x4000  }
0x12f: {  	[sflag:s25] =	ssyncset.done $0x0  }
0x130: {  	[sflag:s25] =	ssyncadd.s32 $0xFFFFC000  }
0x131: {  	_ =	swait.ge [sflag:s25], $0x4000  }
0x132: {  	s18 =	simm.s32 $0x0;
	[sflag:s25] =	ssyncset.done $0x0  }
0x133: {  	s5 =	simm.s32 $0x8400;
	s29 =	simm.s32 $0x14400;
	[sflag:s25] =	ssyncadd.s32 $0xFFFFC000  }
0x134: {  	[hbm4b:s11+s18] =	stream.linear.scatter [tilespmem:s5], [sflag:$0x6], $0x4000, $0x38;
	[tilespmem:$0x18600] =	vst v63  }
0x135: {  	s22 =	simm.s32 $0x8480;
	s6 =	simm.s32 $0x0;
	s5 =	simm.s32 $0x14480  }
0x136: {  	[hbm4b:s12+s18] =	stream.linear.scatter [tilespmem:s29], [sflag:$0x6], $0x4000, $0x38;
	[tilespmem:$0x18600] =	vst v63  }
.LBB2_10:
0x137: {  	v4 =	vld [tilespmem:s22+$0x70]  }
0x138: {  	v5 =	vld [tilespmem:s5+$0x70]  }
0x139: {  	v1 =	vld [tilespmem:s22+$0x60]  }
0x13a: {  	v3 =	vld [tilespmem:s5+$0x60]  }
0x13b: {  	v2 =	vld [tilespmem:s22+$0x50]  }
0x13c: {  	v6 =	vld [tilespmem:s5+$0x50]  }
0x13d: {  	v7 =	vld [tilespmem:s22+$0x40]  }
0x13e: {  	v8 =	vld [tilespmem:s5+$0x40]  }
0x13f: {  	v9 =	vld [tilespmem:s22+$0x30]  }
0x140: {  	v10 =	vld [tilespmem:s5+$0x30]  }
0x141: {  	v11 =	vld [tilespmem:s22+$0x20]  }
0x142: {  	v12 =	vld [tilespmem:s5+$0x20]  }
0x143: {  	v13 =	vld [tilespmem:s22+$0x0]  }
0x144: {  	v14 =	vld [tilespmem:s5+$0x0]  }
0x145: {  	v15 =	vld [tilespmem:s22+$0x10]  }
0x146: {  	v16 =	vld [tilespmem:s5+$0x10]  }
0x147: {  	v17 =	vld [tilespmem:s22+$0xFFFFFF80]  }
0x148: {  	v18 =	vld [tilespmem:s5+$0xFFFFFF80]  }
0x149: {  	v19 =	vld [tilespmem:s22+$0xFFFFFF90]  }
0x14a: {  	v20 =	vld [tilespmem:s5+$0xFFFFFF90]  }
0x14b: {  	v21 =	vld [tilespmem:s22+$0xFFFFFFA0]  }
0x14c: {  	v22 =	vld [tilespmem:s5+$0xFFFFFFA0]  }
0x14d: {  	v23 =	vld [tilespmem:s22+$0xFFFFFFB0]  }
0x14e: {  	v13 =	vmul.f32 v14, v13;
	v14 =	vmul.f32 v16, v15;
	v15 =	vld [tilespmem:s5+$0xFFFFFFB0]  }
0x14f: {  	v16 =	vmul.f32 v18, v17;
	v17 =	vmul.f32 v20, v19;
	v18 =	vld [tilespmem:s22+$0xFFFFFFC0]  }
0x150: {  	v11 =	vmul.f32 v12, v11;
	v12 =	vld [tilespmem:s5+$0xFFFFFFC0];
	v13 =	vadd.f32 v14, v13  }
0x151: {  	v9 =	vmul.f32 v10, v9;
	v10 =	vld [tilespmem:s5+$0xFFFFFFD0];
	v14 =	vadd.f32 v17, v16;
	v16 =	vmul.f32 v22, v21  }
0x152: {  	v17 =	vld [tilespmem:s22+$0xFFFFFFD0];
	v11 =	vadd.f32 v11, v13  }
0x153: {  	v7 =	vmul.f32 v8, v7;
	v8 =	vld [tilespmem:s5+$0xFFFFFFE0];
	v13 =	vadd.f32 v16, v14;
	v14 =	vmul.f32 v15, v23  }
0x154: {  	v15 =	vld [tilespmem:s22+$0xFFFFFFE0];
	v9 =	vadd.f32 v9, v11  }
0x155: {  	v12 =	vmul.f32 v12, v18;
	v11 =	vadd.f32 v14, v13;
	v13 =	vld [tilespmem:s22+$0xFFFFFFF0]  }
0x156: {  	s8 =	sadd.s32 $0x100, s5;
	v6 =	vmul.f32 v6, v2;
	v7 =	vadd.f32 v7, v9;
	v9 =	vld [tilespmem:s5+$0xFFFFFFF0]  }
0x157: {  	s24 =	sadd.s32 $0x100, s22;
	v24 =	vld [tilespmem:s8+$0xFFFFFF90];
	v10 =	vmul.f32 v10, v17;
	v11 =	vadd.f32 v12, v11  }
0x158: {  	v2 =	vld [tilespmem:s24+$0x70];
	v6 =	vadd.f32 v6, v7;
	v7 =	vmul.f32 v3, v1  }
0x159: {  	v5 =	vmul.f32 v5, v4;
	v4 =	vld [tilespmem:s8+$0x60];
	v8 =	vmul.f32 v8, v15;
	v10 =	vadd.f32 v10, v11  }
0x15a: {  	v20 =	vld [tilespmem:s24+$0x0];
	v7 =	vadd.f32 v7, v6  }
0x15b: {  	v19 =	vld [tilespmem:s24+$0xFFFFFF90];
	v10 =	vadd.f32 v8, v10;
	v9 =	vmul.f32 v9, v13  }
0x15c: {  	v22 =	vld [tilespmem:s8+$0x0];
	v5 =	vadd.f32 v5, v7  }
0x15d: {  	v21 =	vld [tilespmem:s24+$0x10];
	v11 =	vadd.f32 v9, v10  }
0x15e: {  	v23 =	vld [tilespmem:s8+$0x10];
	(xrf2) =	vadd.scan.msk.f32 $0xffff, v5  }
0x15f: {  	v18 =	vld [tilespmem:s8+$0xFFFFFF80];
	(xrf2) =	vadd.scan.msk.f32 $0xffff, v11  }
0x160: {  	v14 =	vld [tilespmem:s8+$0x20]  }
0x161: {  	v17 =	vld [tilespmem:s24+$0xFFFFFF80]  }
0x162: {  	v1 =	vld [tilespmem:s8+$0x70]  }
0x163: {  	v3 =	vld [tilespmem:s24+$0x60]  }
0x164: {  	v6 =	vld [tilespmem:s24+$0x50]  }
0x165: {  	v8 =	vld [tilespmem:s24+$0x40]  }
0x166: {  	v13 =	vld [tilespmem:s24+$0x20]  }
0x167: {  	v7 =	vld [tilespmem:s8+$0x50]  }
0x168: {  	v9 =	vld [tilespmem:s8+$0x40];
	v12, _, _ =	vpop (xrf2)  }
0x169: {  	s7 =	sshll.u32 s6, $0x4;
	v10 =	vld [tilespmem:s24+$0x30];
	v15, _, _ =	vpop (xrf2)  }
0x16a: {  	s26 =	simm.s32 $0x2;
	s9 =	simm.s32 $0x4;
	s29 =	simm.s32 $0x1;
	v16 =	vmov s18;
	v5 =	vimm.f32 $0.0e+00;
	v11 =	vld [tilespmem:s8+$0x30];
	v15 =	vbroadcast v15, $0xF  }
.LBB2_11:
0x16b: {  	p0 =	slt.u32 s9, $0xE;
	v25 =	vld [tilespmem:s24+$0xFFFFFFA0];
	v20 =	vmul.f32 v22, v20;
	vm0 =	veq.s32 v16, v0;
	v16 =	vmov s29  }
0x16c: {  	v21 =	vmul.f32 v23, v21;
	v12 =	vbroadcast v12, $0xF;
	v22 =	vld [tilespmem:s8+$0xFFFFFFA0];
	v15 =	vnsel vm0, $0x0, v15  }
0x16d: {  	vm0 =	veq.s32 v16, v0;
	v23 =	vld [tilespmem:s24+$0xFFFFFFB0];
	v5 =	vadd.f32 v15, v5  }
0x16e: {  	v13 =	vmul.f32 v14, v13;
	v16 =	vadd.f32 v21, v20;
	v12 =	vnsel vm0, $0x0, v12;
	v15 =	vld [tilespmem:s8+$0xFFFFFFB0]  }
0x16f: {  	v14 =	vmul.f32 v18, v17;
	v17 =	vmul.f32 v24, v19;
	v18 =	vld [tilespmem:s24+$0xFFFFFFC0];
	v5 =	vadd.f32 v12, v5  }
0x170: {  	v10 =	vmul.f32 v11, v10;
	v13 =	vadd.f32 v13, v16;
	v12 =	vld [tilespmem:s8+$0xFFFFFFC0]  }
0x171: {  	v11 =	vadd.f32 v17, v14;
	v14 =	vmul.f32 v22, v25;
	v16 =	vld [tilespmem:s24+$0xFFFFFFD0]  }
0x172: {  	v8 =	vmul.f32 v9, v8;
	v10 =	vadd.f32 v10, v13;
	v17 =	vld [tilespmem:s8+$0xFFFFFFD0]  }
0x173: {  	v9 =	vadd.f32 v14, v11;
	v11 =	vmul.f32 v15, v23;
	v13 =	vld [tilespmem:s24+$0xFFFFFFE0]  }
0x174: {  	v6 =	vmul.f32 v7, v6;
	v8 =	vadd.f32 v8, v10;
	v14 =	vld [tilespmem:s8+$0xFFFFFFE0]  }
0x175: {  	v7 =	vadd.f32 v11, v9;
	v9 =	vmul.f32 v12, v18;
	v10 =	vld [tilespmem:s24+$0xFFFFFFF0]  }
0x176: {  	v3 =	vmul.f32 v4, v3;
	v6 =	vadd.f32 v6, v8;
	s24 =	sadd.s32 $0x100, s24;
	v11 =	vld [tilespmem:s8+$0xFFFFFFF0]  }
0x177: {  	s8 =	sadd.s32 $0x100, s8;
	v8 =	vld [tilespmem:s24+$0x70];
	v4 =	vadd.f32 v9, v7;
	v7 =	vmul.f32 v17, v16  }
0x178: {  	v2 =	vmul.f32 v1, v2;
	v6 =	vadd.f32 v3, v6;
	v1 =	vld [tilespmem:s8+$0x70]  }
0x179: {  	v3 =	vld [tilespmem:s24+$0x60];
	v7 =	vadd.f32 v7, v4;
	v9 =	vmul.f32 v14, v13  }
0x17a: {  	v12 =	vadd.f32 v2, v6;
	v4 =	vld [tilespmem:s8+$0x60]  }
0x17b: {  	v6 =	vld [tilespmem:s24+$0x50];
	v9 =	vadd.f32 v9, v7;
	v10 =	vmul.f32 v11, v10  }
0x17c: {  	v7 =	vld [tilespmem:s8+$0x50];
	(xrf2) =	vadd.scan.msk.f32 $0xffff, v12;
	v2 =	vmov v8  }
0x17d: {  	v8 =	vld [tilespmem:s24+$0x40];
	v11 =	vadd.f32 v10, v9  }
0x17e: {  	v9 =	vld [tilespmem:s8+$0x40]  }
0x17f: {  	v10 =	vld [tilespmem:s24+$0x30];
	(xrf2) =	vadd.scan.msk.f32 $0xffff, v11  }
0x180: {  	v11 =	vld [tilespmem:s8+$0x30]  }
0x181: {  	v13 =	vld [tilespmem:s24+$0x20]  }
0x182: {  	v14 =	vld [tilespmem:s8+$0x20]  }
0x183: {  	v20 =	vld [tilespmem:s24+$0x0]  }
0x184: {  	v22 =	vld [tilespmem:s8+$0x0]  }
0x185: {  	v21 =	vld [tilespmem:s24+$0x10]  }
.Ltmp4:
0x186: {  	v23 =	vld [tilespmem:s8+$0x10];
	v12, _, _ =	vpop (xrf2);
	(pc) =	sbr.rel @p0 .LBB2_11-.Ltmp4, $4  }
0x187: {  	v17 =	vld [tilespmem:s24+$0xFFFFFF80]  }
0x188: {  	v18 =	vld [tilespmem:s8+$0xFFFFFF80]  }
0x189: {  	v19 =	vld [tilespmem:s24+$0xFFFFFF90];
	v15, _, _ =	vpop (xrf2)  }
0x18a: {  	s29 =	sadd.s32 $0x1, s26;
	v16 =	vmov s26;
	s26 =	smov.u32 s9;
	s9 =	sadd.s32 $0x2, s9;
	v24 =	vld [tilespmem:s8+$0xFFFFFF90];
	v15 =	vbroadcast v15, $0xF  }
0x18b: {  	v25 =	vld [tilespmem:s24+$0xFFFFFFA0]  }
0x18c: {  	v26 =	vld [tilespmem:s8+$0xFFFFFFA0]  }
0x18d: {  	v27 =	vld [tilespmem:s24+$0xFFFFFFB0]  }
0x18e: {  	v20 =	vmul.f32 v22, v20;
	v21 =	vmul.f32 v23, v21;
	v45 =	vld [tilespmem:s8+$0xFFFFFFB0]  }
0x18f: {  	v47 =	vld [tilespmem:s24+$0xFFFFFFC0];
	v17 =	vmul.f32 v18, v17;
	v46 =	vmul.f32 v24, v19  }
0x190: {  	v13 =	vmul.f32 v14, v13;
	v48 =	vld [tilespmem:s8+$0xFFFFFFC0];
	v20 =	vadd.f32 v21, v20  }
0x191: {  	v50 =	vld [tilespmem:s24+$0xFFFFFFD0];
	v49 =	vmul.f32 v26, v25;
	v17 =	vadd.f32 v46, v17  }
0x192: {  	v10 =	vmul.f32 v11, v10;
	v51 =	vld [tilespmem:s8+$0xFFFFFFD0];
	v13 =	vadd.f32 v13, v20  }
0x193: {  	v53 =	vld [tilespmem:s24+$0xFFFFFFE0];
	v52 =	vmul.f32 v45, v27;
	v17 =	vadd.f32 v49, v17  }
0x194: {  	v8 =	vmul.f32 v9, v8;
	v54 =	vld [tilespmem:s8+$0xFFFFFFE0];
	v10 =	vadd.f32 v10, v13  }
0x195: {  	v56 =	vld [tilespmem:s24+$0xFFFFFFF0];
	v14 =	vmul.f32 v48, v47;
	v55 =	vadd.f32 v52, v17  }
0x196: {  	v6 =	vmul.f32 v7, v6;
	v57 =	vld [tilespmem:s8+$0xFFFFFFF0];
	v8 =	vadd.f32 v8, v10  }
0x197: {  	v11 =	vmul.f32 v51, v50;
	v58 =	vadd.f32 v14, v55  }
0x198: {  	v3 =	vmul.f32 v4, v3;
	v6 =	vadd.f32 v6, v8  }
0x199: {  	v60 =	vmul.f32 v54, v53;
	v59 =	vadd.f32 v11, v58  }
0x19a: {  	v1 =	vmul.f32 v1, v2;
	v3 =	vadd.f32 v3, v6  }
0x19b: {  	v61 =	vmul.f32 v57, v56;
	v2 =	vadd.f32 v60, v59  }
0x19c: {  	v1 =	vadd.f32 v1, v3  }
0x19d: {  	v2 =	vadd.f32 v61, v2  }
0x19e: {  	(xrf2) =	vadd.scan.msk.f32 $0xffff, v1  }
0x19f: {  	(xrf2) =	vadd.scan.msk.f32 $0xffff, v2;
	_ =	sdelay $0x6  }
0x1a0: {  	v1 =	vmov s29  }
0x1a1: {  	vm0 =	veq.s32 v16, v0  }
0x1a2: {  	v3 =	vbroadcast v12, $0xF;
	v2 =	vnsel vm0, $0x0, v15;
	v62, _, _ =	vpop (xrf2)  }
0x1a3: {  	vm13 =	veq.s32 v1, v0;
	v2 =	vadd.f32 v2, v5;
	v1, _, _ =	vpop (xrf2)  }
0x1a4: {  	v63 =	vmov s26;
	v3 =	vnsel vm13, $0x0, v3;
	v1 =	vbroadcast v1, $0xF  }
0x1a5: {  	s6 =	sadd.s32 $0x1, s6;
	vm14 =	veq.s32 v63, v0;
	s29 =	sadd.s32 $0x1, s26;
	v2 =	vadd.f32 v3, v2  }
0x1a6: {  	p0 =	sne.s32 s6, $0x8;
	v3 =	vmov s29;
	v4 =	vbroadcast v62, $0xF;
	v1 =	vnsel vm14, $0x0, v1  }
.Ltmp5:
0x1a7: {  	vm15 =	veq.s32 v3, v0;
	v1 =	vadd.f32 v1, v2;
	(pc) =	sbr.rel @p0 .LBB2_10-.Ltmp5, $3  }
0x1a8: {  	v2 =	vnsel vm15, $0x0, v4  }
0x1a9: {  	v1 =	vadd.f32 v2, v1;
	_ =	sdelay $0x1  }
0x1aa: {  	s5 =	sadd.s32 $0x800, s5;
	s22 =	sadd.s32 $0x800, s22;
	[tilespmem:s7+$0x18500] =	vst v1  }
0x1ab: {  	_ =	swait.ge [sflag:s30], $0x4000  }
0x1ac: {  	[sflag:s30] =	ssyncset.done $0x0  }
0x1ad: {  	[sflag:s30] =	ssyncadd.s32 $0xFFFFC000  }
0x1ae: {  	_ =	swait.ge [sflag:s30], $0x4000  }
0x1af: {  	[sflag:s30] =	ssyncset.done $0x0  }
0x1b0: {  	s18 =	simm.s32 $0x0;
	[sflag:s30] =	ssyncadd.s32 $0xFFFFC000  }
0x1b1: {  	[hbm4b:s13+s18] =	stream.linear.scatter [tilespmem:s20], [sflag:$0x4], $0x4000, $0x38;
	[tilespmem:$0x18600] =	vst v63  }
0x1b2: {  	s5 =	simm.s32 $0xC480;
	s22 =	simm.s32 $0x480;
	s6 =	simm.s32 $0x0  }
0x1b3: {  	[hbm4b:s14+s18] =	stream.linear.scatter [tilespmem:s21], [sflag:$0x4], $0x4000, $0x38;
	[tilespmem:$0x18600] =	vst v63  }
.LBB2_14:
0x1b4: {  	v4 =	vld [tilespmem:s22+$0x70]  }
0x1b5: {  	v5 =	vld [tilespmem:s5+$0x70]  }
0x1b6: {  	v1 =	vld [tilespmem:s22+$0x60]  }
0x1b7: {  	v3 =	vld [tilespmem:s5+$0x60]  }
0x1b8: {  	v2 =	vld [tilespmem:s22+$0x50]  }
0x1b9: {  	v6 =	vld [tilespmem:s5+$0x50]  }
0x1ba: {  	v7 =	vld [tilespmem:s22+$0x40]  }
0x1bb: {  	v8 =	vld [tilespmem:s5+$0x40]  }
0x1bc: {  	v9 =	vld [tilespmem:s22+$0x30]  }
0x1bd: {  	v10 =	vld [tilespmem:s5+$0x30]  }
0x1be: {  	v11 =	vld [tilespmem:s22+$0x20]  }
0x1bf: {  	v12 =	vld [tilespmem:s5+$0x20]  }
0x1c0: {  	v13 =	vld [tilespmem:s22+$0x0]  }
0x1c1: {  	v14 =	vld [tilespmem:s5+$0x0]  }
0x1c2: {  	v15 =	vld [tilespmem:s22+$0x10]  }
0x1c3: {  	v16 =	vld [tilespmem:s5+$0x10]  }
0x1c4: {  	v17 =	vld [tilespmem:s22+$0xFFFFFF80]  }
0x1c5: {  	v18 =	vld [tilespmem:s5+$0xFFFFFF80]  }
0x1c6: {  	v19 =	vld [tilespmem:s22+$0xFFFFFF90]  }
0x1c7: {  	v20 =	vld [tilespmem:s5+$0xFFFFFF90]  }
0x1c8: {  	v21 =	vld [tilespmem:s22+$0xFFFFFFA0]  }
0x1c9: {  	v22 =	vld [tilespmem:s5+$0xFFFFFFA0]  }
0x1ca: {  	v23 =	vld [tilespmem:s22+$0xFFFFFFB0]  }
0x1cb: {  	v13 =	vmul.f32 v14, v13;
	v14 =	vmul.f32 v16, v15;
	v15 =	vld [tilespmem:s5+$0xFFFFFFB0]  }
0x1cc: {  	v16 =	vmul.f32 v18, v17;
	v17 =	vmul.f32 v20, v19;
	v18 =	vld [tilespmem:s22+$0xFFFFFFC0]  }
0x1cd: {  	v11 =	vmul.f32 v12, v11;
	v12 =	vld [tilespmem:s5+$0xFFFFFFC0];
	v13 =	vadd.f32 v14, v13  }
0x1ce: {  	v9 =	vmul.f32 v10, v9;
	v10 =	vld [tilespmem:s5+$0xFFFFFFD0];
	v14 =	vadd.f32 v17, v16;
	v16 =	vmul.f32 v22, v21  }
0x1cf: {  	v17 =	vld [tilespmem:s22+$0xFFFFFFD0];
	v11 =	vadd.f32 v11, v13  }
0x1d0: {  	v7 =	vmul.f32 v8, v7;
	v8 =	vld [tilespmem:s5+$0xFFFFFFE0];
	v13 =	vadd.f32 v16, v14;
	v14 =	vmul.f32 v15, v23  }
0x1d1: {  	v15 =	vld [tilespmem:s22+$0xFFFFFFE0];
	v9 =	vadd.f32 v9, v11  }
0x1d2: {  	v12 =	vmul.f32 v12, v18;
	v11 =	vadd.f32 v14, v13;
	v13 =	vld [tilespmem:s22+$0xFFFFFFF0]  }
0x1d3: {  	s8 =	sadd.s32 $0x100, s5;
	v6 =	vmul.f32 v6, v2;
	v7 =	vadd.f32 v7, v9;
	v9 =	vld [tilespmem:s5+$0xFFFFFFF0]  }
0x1d4: {  	s24 =	sadd.s32 $0x100, s22;
	v24 =	vld [tilespmem:s8+$0xFFFFFF90];
	v10 =	vmul.f32 v10, v17;
	v11 =	vadd.f32 v12, v11  }
0x1d5: {  	v2 =	vld [tilespmem:s24+$0x70];
	v6 =	vadd.f32 v6, v7;
	v7 =	vmul.f32 v3, v1  }
0x1d6: {  	v5 =	vmul.f32 v5, v4;
	v4 =	vld [tilespmem:s8+$0x60];
	v8 =	vmul.f32 v8, v15;
	v10 =	vadd.f32 v10, v11  }
0x1d7: {  	v20 =	vld [tilespmem:s24+$0x0];
	v7 =	vadd.f32 v7, v6  }
0x1d8: {  	v19 =	vld [tilespmem:s24+$0xFFFFFF90];
	v10 =	vadd.f32 v8, v10;
	v9 =	vmul.f32 v9, v13  }
0x1d9: {  	v22 =	vld [tilespmem:s8+$0x0];
	v5 =	vadd.f32 v5, v7  }
0x1da: {  	v21 =	vld [tilespmem:s24+$0x10];
	v11 =	vadd.f32 v9, v10  }
0x1db: {  	v23 =	vld [tilespmem:s8+$0x10];
	(xrf2) =	vadd.scan.msk.f32 $0xffff, v5  }
0x1dc: {  	v18 =	vld [tilespmem:s8+$0xFFFFFF80];
	(xrf2) =	vadd.scan.msk.f32 $0xffff, v11  }
0x1dd: {  	v14 =	vld [tilespmem:s8+$0x20]  }
0x1de: {  	v17 =	vld [tilespmem:s24+$0xFFFFFF80]  }
0x1df: {  	v1 =	vld [tilespmem:s8+$0x70]  }
0x1e0: {  	v3 =	vld [tilespmem:s24+$0x60]  }
0x1e1: {  	v6 =	vld [tilespmem:s24+$0x50]  }
0x1e2: {  	v8 =	vld [tilespmem:s24+$0x40]  }
0x1e3: {  	v13 =	vld [tilespmem:s24+$0x20]  }
0x1e4: {  	v7 =	vld [tilespmem:s8+$0x50]  }
0x1e5: {  	v9 =	vld [tilespmem:s8+$0x40];
	v12, _, _ =	vpop (xrf2)  }
0x1e6: {  	s7 =	sshll.u32 s6, $0x4;
	v10 =	vld [tilespmem:s24+$0x30];
	v15, _, _ =	vpop (xrf2)  }
0x1e7: {  	s26 =	simm.s32 $0x2;
	s9 =	simm.s32 $0x4;
	s29 =	simm.s32 $0x1;
	v16 =	vmov s18;
	v5 =	vimm.f32 $0.0e+00;
	v11 =	vld [tilespmem:s8+$0x30];
	v15 =	vbroadcast v15, $0xF  }
.LBB2_15:
0x1e8: {  	p0 =	slt.u32 s9, $0xE;
	v25 =	vld [tilespmem:s24+$0xFFFFFFA0];
	v20 =	vmul.f32 v22, v20;
	vm0 =	veq.s32 v16, v0;
	v16 =	vmov s29  }
0x1e9: {  	v21 =	vmul.f32 v23, v21;
	v12 =	vbroadcast v12, $0xF;
	v22 =	vld [tilespmem:s8+$0xFFFFFFA0];
	v15 =	vnsel vm0, $0x0, v15  }
0x1ea: {  	vm0 =	veq.s32 v16, v0;
	v23 =	vld [tilespmem:s24+$0xFFFFFFB0];
	v5 =	vadd.f32 v15, v5  }
0x1eb: {  	v13 =	vmul.f32 v14, v13;
	v16 =	vadd.f32 v21, v20;
	v12 =	vnsel vm0, $0x0, v12;
	v15 =	vld [tilespmem:s8+$0xFFFFFFB0]  }
0x1ec: {  	v14 =	vmul.f32 v18, v17;
	v17 =	vmul.f32 v24, v19;
	v18 =	vld [tilespmem:s24+$0xFFFFFFC0];
	v5 =	vadd.f32 v12, v5  }
0x1ed: {  	v10 =	vmul.f32 v11, v10;
	v13 =	vadd.f32 v13, v16;
	v12 =	vld [tilespmem:s8+$0xFFFFFFC0]  }
0x1ee: {  	v11 =	vadd.f32 v17, v14;
	v14 =	vmul.f32 v22, v25;
	v16 =	vld [tilespmem:s24+$0xFFFFFFD0]  }
0x1ef: {  	v8 =	vmul.f32 v9, v8;
	v10 =	vadd.f32 v10, v13;
	v17 =	vld [tilespmem:s8+$0xFFFFFFD0]  }
0x1f0: {  	v9 =	vadd.f32 v14, v11;
	v11 =	vmul.f32 v15, v23;
	v13 =	vld [tilespmem:s24+$0xFFFFFFE0]  }
0x1f1: {  	v6 =	vmul.f32 v7, v6;
	v8 =	vadd.f32 v8, v10;
	v14 =	vld [tilespmem:s8+$0xFFFFFFE0]  }
0x1f2: {  	v7 =	vadd.f32 v11, v9;
	v9 =	vmul.f32 v12, v18;
	v10 =	vld [tilespmem:s24+$0xFFFFFFF0]  }
0x1f3: {  	v3 =	vmul.f32 v4, v3;
	v6 =	vadd.f32 v6, v8;
	s24 =	sadd.s32 $0x100, s24;
	v11 =	vld [tilespmem:s8+$0xFFFFFFF0]  }
0x1f4: {  	s8 =	sadd.s32 $0x100, s8;
	v8 =	vld [tilespmem:s24+$0x70];
	v4 =	vadd.f32 v9, v7;
	v7 =	vmul.f32 v17, v16  }
0x1f5: {  	v2 =	vmul.f32 v1, v2;
	v6 =	vadd.f32 v3, v6;
	v1 =	vld [tilespmem:s8+$0x70]  }
0x1f6: {  	v3 =	vld [tilespmem:s24+$0x60];
	v7 =	vadd.f32 v7, v4;
	v9 =	vmul.f32 v14, v13  }
0x1f7: {  	v12 =	vadd.f32 v2, v6;
	v4 =	vld [tilespmem:s8+$0x60]  }
0x1f8: {  	v6 =	vld [tilespmem:s24+$0x50];
	v9 =	vadd.f32 v9, v7;
	v10 =	vmul.f32 v11, v10  }
0x1f9: {  	v7 =	vld [tilespmem:s8+$0x50];
	(xrf2) =	vadd.scan.msk.f32 $0xffff, v12;
	v2 =	vmov v8  }
0x1fa: {  	v8 =	vld [tilespmem:s24+$0x40];
	v11 =	vadd.f32 v10, v9  }
0x1fb: {  	v9 =	vld [tilespmem:s8+$0x40]  }
0x1fc: {  	v10 =	vld [tilespmem:s24+$0x30];
	(xrf2) =	vadd.scan.msk.f32 $0xffff, v11  }
0x1fd: {  	v11 =	vld [tilespmem:s8+$0x30]  }
0x1fe: {  	v13 =	vld [tilespmem:s24+$0x20]  }
0x1ff: {  	v14 =	vld [tilespmem:s8+$0x20]  }
0x200: {  	v20 =	vld [tilespmem:s24+$0x0]  }
0x201: {  	v22 =	vld [tilespmem:s8+$0x0]  }
0x202: {  	v21 =	vld [tilespmem:s24+$0x10]  }
.Ltmp6:
0x203: {  	v23 =	vld [tilespmem:s8+$0x10];
	v12, _, _ =	vpop (xrf2);
	(pc) =	sbr.rel @p0 .LBB2_15-.Ltmp6, $4  }
0x204: {  	v17 =	vld [tilespmem:s24+$0xFFFFFF80]  }
0x205: {  	v18 =	vld [tilespmem:s8+$0xFFFFFF80]  }
0x206: {  	v19 =	vld [tilespmem:s24+$0xFFFFFF90];
	v15, _, _ =	vpop (xrf2)  }
0x207: {  	s29 =	sadd.s32 $0x1, s26;
	v16 =	vmov s26;
	s26 =	smov.u32 s9;
	s9 =	sadd.s32 $0x2, s9;
	v24 =	vld [tilespmem:s8+$0xFFFFFF90];
	v15 =	vbroadcast v15, $0xF  }
0x208: {  	v25 =	vld [tilespmem:s24+$0xFFFFFFA0]  }
0x209: {  	v26 =	vld [tilespmem:s8+$0xFFFFFFA0]  }
0x20a: {  	v27 =	vld [tilespmem:s24+$0xFFFFFFB0]  }
0x20b: {  	v20 =	vmul.f32 v22, v20;
	v21 =	vmul.f32 v23, v21;
	v45 =	vld [tilespmem:s8+$0xFFFFFFB0]  }
0x20c: {  	v47 =	vld [tilespmem:s24+$0xFFFFFFC0];
	v17 =	vmul.f32 v18, v17;
	v46 =	vmul.f32 v24, v19  }
0x20d: {  	v13 =	vmul.f32 v14, v13;
	v48 =	vld [tilespmem:s8+$0xFFFFFFC0];
	v20 =	vadd.f32 v21, v20  }
0x20e: {  	v50 =	vld [tilespmem:s24+$0xFFFFFFD0];
	v49 =	vmul.f32 v26, v25;
	v17 =	vadd.f32 v46, v17  }
0x20f: {  	v10 =	vmul.f32 v11, v10;
	v51 =	vld [tilespmem:s8+$0xFFFFFFD0];
	v13 =	vadd.f32 v13, v20  }
0x210: {  	v53 =	vld [tilespmem:s24+$0xFFFFFFE0];
	v52 =	vmul.f32 v45, v27;
	v17 =	vadd.f32 v49, v17  }
0x211: {  	v8 =	vmul.f32 v9, v8;
	v54 =	vld [tilespmem:s8+$0xFFFFFFE0];
	v10 =	vadd.f32 v10, v13  }
0x212: {  	v56 =	vld [tilespmem:s24+$0xFFFFFFF0];
	v14 =	vmul.f32 v48, v47;
	v55 =	vadd.f32 v52, v17  }
0x213: {  	v6 =	vmul.f32 v7, v6;
	v57 =	vld [tilespmem:s8+$0xFFFFFFF0];
	v8 =	vadd.f32 v8, v10  }
0x214: {  	v11 =	vmul.f32 v51, v50;
	v58 =	vadd.f32 v14, v55  }
0x215: {  	v3 =	vmul.f32 v4, v3;
	v6 =	vadd.f32 v6, v8  }
0x216: {  	v60 =	vmul.f32 v54, v53;
	v59 =	vadd.f32 v11, v58  }
0x217: {  	v1 =	vmul.f32 v1, v2;
	v3 =	vadd.f32 v3, v6  }
0x218: {  	v61 =	vmul.f32 v57, v56;
	v2 =	vadd.f32 v60, v59  }
0x219: {  	v1 =	vadd.f32 v1, v3  }
0x21a: {  	v2 =	vadd.f32 v61, v2  }
0x21b: {  	(xrf2) =	vadd.scan.msk.f32 $0xffff, v1  }
0x21c: {  	(xrf2) =	vadd.scan.msk.f32 $0xffff, v2;
	_ =	sdelay $0x6  }
0x21d: {  	v1 =	vmov s29  }
0x21e: {  	vm0 =	veq.s32 v16, v0  }
0x21f: {  	v3 =	vbroadcast v12, $0xF;
	v2 =	vnsel vm0, $0x0, v15;
	v62, _, _ =	vpop (xrf2)  }
0x220: {  	vm13 =	veq.s32 v1, v0;
	v2 =	vadd.f32 v2, v5;
	v1, _, _ =	vpop (xrf2)  }
0x221: {  	v63 =	vmov s26;
	v3 =	vnsel vm13, $0x0, v3;
	v1 =	vbroadcast v1, $0xF  }
0x222: {  	s6 =	sadd.s32 $0x1, s6;
	vm14 =	veq.s32 v63, v0;
	s29 =	sadd.s32 $0x1, s26;
	v2 =	vadd.f32 v3, v2  }
0x223: {  	p0 =	sne.s32 s6, $0x8;
	v3 =	vmov s29;
	v4 =	vbroadcast v62, $0xF;
	v1 =	vnsel vm14, $0x0, v1  }
.Ltmp7:
0x224: {  	vm15 =	veq.s32 v3, v0;
	v1 =	vadd.f32 v1, v2;
	(pc) =	sbr.rel @p0 .LBB2_14-.Ltmp7, $3  }
0x225: {  	v2 =	vnsel vm15, $0x0, v4  }
0x226: {  	v1 =	vadd.f32 v2, v1;
	_ =	sdelay $0x1  }
0x227: {  	s5 =	sadd.s32 $0x800, s5;
	s22 =	sadd.s32 $0x800, s22;
	[tilespmem:s7+$0x18580] =	vst v1  }
0x228: {  	s5 =	simm.s32 $0x18400  }
0x229: {  	[hbm4b:s15+s4] =	stream.linear.scatter [tilespmem:s5], [sflag:$0x7], $0x200, $0x38;
	[tilespmem:$0x18600] =	vst v63  }
0x22a: {  	_ =	swait.ge [sflag:s17], $0x200  }
0x22b: {  	[sflag:s17] =	ssyncset.done $0x0  }
0x22c: {  	[sflag:s17] =	ssyncadd.s32 $0xFFFFFE00  }
0x22d: {  	_ =	swait.ge [sflag:s0], $0x4000  }
0x22e: {  	[sflag:s0] =	ssyncset.done $0x0  }
0x22f: {  	[sflag:s0] =	ssyncadd.s32 $0xFFFFC000  }
0x230: {  	_ =	swait.ge [sflag:s0], $0x4000  }
0x231: {  	[sflag:s0] =	ssyncset.done $0x0  }
0x232: {  	[sflag:s0] =	ssyncadd.s32 $0xFFFFC000  }
0x233: {  	_ =	swait.ge [sflag:s3], $0x4000  }
0x234: {  	[sflag:s3] =	ssyncset.done $0x0  }
0x235: {  	[sflag:s3] =	ssyncadd.s32 $0xFFFFC000  }
0x236: {  	_ =	swait.ge [sflag:s3], $0x4000  }
0x237: {  	[sflag:s3] =	ssyncset.done $0x0  }
0x238: {  	s28 =	sadd.s32 $0x1, s28;
	[sflag:s3] =	ssyncadd.s32 $0xFFFFC000  }
0x239: {  	p0 =	sne.s32 s28, s16;
	_ =	swait.ge [sflag:s31], $0x4000  }
.Ltmp8:
0x23a: {  	[sflag:s31] =	ssyncset.done $0x0;
	(pc) =	sbr.rel @p0 .LBB2_1-.Ltmp8, $4  }
0x23b: {  	[sflag:s31] =	ssyncadd.s32 $0xFFFFC000  }
0x23c: {  	_ =	swait.ge [sflag:s31], $0x4000  }
0x23d: {  	[sflag:s31] =	ssyncset.done $0x0  }
0x23e: {  	s29 =	simm.s32 $0x4400;
	[sflag:s31] =	ssyncadd.s32 $0xFFFFC000  }
0x23f: {  	_ =	sfence.sel $0x180000  }
0x240: {  	[bflag:$0x0] =	sbarrier.arrive $0xFFFF  }
0x241: {  	_ =	strace $0x90000047  }
0x242: {  	s0 =	stileid.u32;
	[bflag:$0x2] =	sbarrier.arrive $0xFFFF  }
0x243: {  	p0 =	sne.s32 s0, $0x0;
	s0 =	rddreg [dreg:$0x7]  }
0x244: {  	s0 =	sadd.s32 @!p0 $0x100000, s0  }
0x245: {  	[sflag:s0] =	ssyncadd.tile.s32 @!p0 $0x1;
	_ =	shalt  }
.Lfunc_end2:
_tile_overlayer_lowered:
.L_overlay_start_2:
0x246: {  	(tag) =	ssettag $0x2  }
0x247: {  	s0 =	rddreg [dreg:$0x0];
	s2 =	stileid.u32  }
0x248: {  	s1 =	rddreg [dreg:$0x1];
	p0 =	sne.s32 s2, $0x0  }
0x249: {  	s3 =	rddreg [dreg:$0x2];
	[bflag:$0x3] =	sbarrier.arrive $0xFFFF;
	s2 =	simm.s32 @!p0 $0x1C07  }
0x24a: {  	[timem:s3], [sflag:s2] =	dma.local @!p0 [hbm:s0], s1  }
0x24b: {  	s0 =	simm.s32 @!p0 $0x7  }
0x24c: {  	_ =	swait.ge @!p0 [sflag:s0], s1  }
0x24d: {  	s1 =	ssub.s32 @!p0 $0x0, s1;
	[sflag:s0] =	ssyncset.done @!p0 $0x0  }
0x24e: {  	[sflag:s0] =	ssyncadd.s32 @!p0 s1  }
0x24f: {  	[bflag:$0x3] =	sbarrier.arrive $0xFFFF  }
0x250: {  	_ =	shalt  }

</sc_bundles>
